<compile_context>
chip_gen: v7x
topology: tpu7x:2x2x1
jax: 0.10.2.dev20260603
libtpu: 0.0.44.dev20260713+nightly
codegen_flags: <defaults>
</compile_context>

<pallas_src>
import functools

import jax
import jax.numpy as jnp
from jax import lax
from jax.experimental import pallas as pl
from jax.experimental.pallas import tpu as pltpu
from jax.experimental.pallas import tpu_sc as plsc

NH = 8
HD = 96
HP = 128
K_TOP = 4
NW = 7
RS = 16
NREG = NW * NW
RS2 = RS * RS
D = 768
DP = NH * HP
C_IN = 384
H = 112
SCALE = HD ** -0.5
F32 = jnp.float32
BF16 = jnp.bfloat16
FP8 = jnp.float8_e4m3fn
WS = 16.0
WS_INV = 1.0 / WS


def _k1_body(zf_ref, w2_ref, b2_ref, wqkv_ref, bqkv_ref, scl_ref,
             qk_ref, v_ref, zfpool_ref):
    zf = zf_ref[:].reshape(RS2, C_IN)
    zfpool_ref[:] = jnp.mean(zf, axis=0).reshape(1, 1, C_IN)
    x = jnp.dot(zf.astype(FP8), w2_ref[:], preferred_element_type=F32)
    x = (x * WS_INV + b2_ref[:]).astype(FP8)
    qkv = jnp.dot(x, wqkv_ref[:], preferred_element_type=F32)
    qkv = (qkv * scl_ref[:] + bqkv_ref[:]).astype(FP8)
    qk_ref[:] = qkv[:, :2 * DP].reshape(RS, RS, 2 * DP)
    v_ref[:] = qkv[:, 2 * DP:].reshape(RS, RS, DP)


NRP = 64


def _k2_body(zfpool_ref, w2_ref, b2_ref, wq_ref, bq_ref, wk_ref, bk_ref,
             a_ref):
    hi = jax.lax.Precision.HIGHEST
    zp = zfpool_ref[:].reshape(NRP, C_IN)
    xp = jnp.dot(zp, w2_ref[:], precision=hi,
                 preferred_element_type=F32) + b2_ref[:]
    qr = jnp.dot(xp, wq_ref[:], precision=hi,
                 preferred_element_type=F32) + bq_ref[:]
    kr = jnp.dot(xp, wk_ref[:], precision=hi,
                 preferred_element_type=F32) + bk_ref[:]
    a = jax.lax.dot_general(qr, kr, (((1,), (1,)), ((), ())), precision=hi,
                            preferred_element_type=F32)
    col = jax.lax.broadcasted_iota(jnp.int32, (NRP, NRP), 1)
    a_ref[:] = jnp.where(col < NREG, a, -1e30)


def _take16(x, g):
    dn = lax.GatherDimensionNumbers(offset_dims=(), collapsed_slice_dims=(0,),
                                    start_index_map=(0,))
    return lax.gather(x, g[:, None], dn, (1,),
                      mode=lax.GatherScatterMode.PROMISE_IN_BOUNDS)


def _sc_topk(a_pad):
    info = plsc.get_sparse_core_info()
    nw = info.num_cores * info.num_subcores
    rows_per_w = NRP // nw
    mesh = plsc.VectorSubcoreMesh(core_axis_name="c", subcore_axis_name="s")

    @functools.partial(
        pl.kernel, mesh=mesh,
        out_type=jax.ShapeDtypeStruct((NRP, 16), jnp.int32),
        scratch_types=[pltpu.VMEM((NRP,), F32),
                       pltpu.VMEM((16,), jnp.int32)],
        compiler_params=pltpu.CompilerParams(needs_layout_passes=False),
    )
    def k(a_hbm, out_hbm, row_v, idx_v):
        wid = lax.axis_index("s") * info.num_cores + lax.axis_index("c")
        lane = lax.iota(jnp.int32, 16)
        for r in range(rows_per_w):
            row = wid * rows_per_w + r
            pltpu.sync_copy(a_hbm.at[row], row_v)
            g = lane & 3
            vals = jnp.full((16,), -3e38, F32)
            ids = jnp.zeros((16,), jnp.int32)
            for j in range(4):
                srt, sid = plsc.sort_key_val(
                    row_v[pl.ds(16 * j, 16)], lane + 16 * j, descending=True)
                sel = (lane >= 4 * j) & (lane < 4 * (j + 1))
                vals = jnp.where(sel, _take16(srt, g), vals)
                ids = jnp.where(sel, _take16(sid, g), ids)
            _, top = plsc.sort_key_val(vals, ids, descending=True)
            idx_v[...] = top
            pltpu.sync_copy(idx_v, out_hbm.at[row])

    return k(a_pad)


def _k3_body(idx_ref, q_ref, k0_ref, k1_ref, k2_ref, k3_ref,
             v0_ref, v1_ref, v2_ref, v3_ref, out_ref):
    del idx_ref
    q = q_ref[:].reshape(RS2, DP)
    ks = [r[:].reshape(RS2, DP) for r in (k0_ref, k1_ref, k2_ref, k3_ref)]
    vs = [r[:].reshape(RS2, DP) for r in (v0_ref, v1_ref, v2_ref, v3_ref)]
    outs = []
    for h in range(NH):
        sl = slice(h * HP, (h + 1) * HP)
        qh = q[:, sl]
        oacc = jnp.zeros((RS2, HP), F32)
        for t in range(K_TOP):
            lg = jax.lax.dot_general(qh, ks[t][:, sl], (((1,), (1,)), ((), ())),
                                     preferred_element_type=F32)
            e = jnp.exp(lg).astype(FP8)
            oacc = oacc + jnp.dot(e, vs[t][:, sl],
                                  preferred_element_type=F32)
        outs.append((oacc / oacc[:, HD:HD + 1]).astype(FP8))
    out_ref[:] = jnp.concatenate(outs, axis=1).reshape(RS, RS, DP)


def _k4_body(vpad_ref, w_ref, b_ref, out_ref):
    cb = b_ref.shape[1]
    acc = jnp.broadcast_to(b_ref[:].reshape(1, 1, cb), (H, H, cb))
    for dy in range(5):
        for dx in range(5):
            w = w_ref[dy * 5 + dx: dy * 5 + dx + 1, :].reshape(1, 1, cb)
            acc = acc + vpad_ref[dy:dy + H, dx:dx + H, :].astype(F32) * w
    out_ref[:] = acc.astype(FP8)


def _k5_body(a_ref, l_ref, zf_ref, wout_ref, bout_ref, w3_ref, b3_ref,
             out_ref):
    o = (a_ref[:].astype(F32) + l_ref[:].astype(F32)).astype(FP8)
    y = jnp.dot(o, wout_ref[:], preferred_element_type=F32)
    y = (y * WS_INV + bout_ref[:]).astype(FP8)
    z = jnp.dot(y, w3_ref[:], preferred_element_type=F32)
    out_ref[:] = z * WS_INV + b3_ref[:] + zf_ref[:]


def _pad_heads(w):
    r = w.shape[0]
    return jnp.pad(w.reshape(r, NH, HD), ((0, 0), (0, 0), (0, HP - HD))
                   ).reshape(r, DP)


def kernel(zf, W2, b2, Wqkv, bqkv, Wlepe, blepe, Wout, bout, W3, b3):
    zf_t = jnp.transpose(zf[0], (1, 2, 0))

    wq, wk, wv = Wqkv[:D].T, Wqkv[D:2 * D].T, Wqkv[2 * D:].T
    wqkv_pad = jnp.concatenate(
        [_pad_heads(wq), _pad_heads(wk), _pad_heads(wv)], axis=1) * WS
    bq, bk, bv = bqkv[:D], bqkv[D:2 * D], bqkv[2 * D:]
    bv_pad = _pad_heads(bv[None])[0]
    bv_pad = bv_pad.at[HD::HP].set(1.0)
    bqkv_pad = jnp.concatenate(
        [_pad_heads(bq[None] * SCALE)[0], _pad_heads(bk[None])[0], bv_pad])
    scl = jnp.concatenate([jnp.full((DP,), SCALE * WS_INV),
                           jnp.full((2 * DP,), WS_INV)])[None]

    qk_t, v_t, zfpool = pl.pallas_call(
        _k1_body,
        grid=(NW, NW),
        compiler_params=pltpu.CompilerParams(
            dimension_semantics=("parallel", "parallel")),
        in_specs=[
            pl.BlockSpec((RS, RS, C_IN), lambda i, j: (i, j, 0)),
            pl.BlockSpec((C_IN, D), lambda i, j: (0, 0)),
            pl.BlockSpec((1, D), lambda i, j: (0, 0)),
            pl.BlockSpec((D, 3 * DP), lambda i, j: (0, 0)),
            pl.BlockSpec((1, 3 * DP), lambda i, j: (0, 0)),
            pl.BlockSpec((1, 3 * DP), lambda i, j: (0, 0)),
        ],
        out_specs=[
            pl.BlockSpec((RS, RS, 2 * DP), lambda i, j: (i, j, 0)),
            pl.BlockSpec((RS, RS, DP), lambda i, j: (i, j, 0)),
            pl.BlockSpec((1, 1, C_IN), lambda i, j: (i * NW + j, 0, 0)),
        ],
        out_shape=[
            jax.ShapeDtypeStruct((H, H, 2 * DP), FP8),
            jax.ShapeDtypeStruct((H, H, DP), FP8),
            jax.ShapeDtypeStruct((NRP, 1, C_IN), F32),
        ],
    )(zf_t, (W2.T * WS).astype(FP8), b2[None], wqkv_pad.astype(FP8),
      bqkv_pad[None], scl)

    a_pad = pl.pallas_call(
        _k2_body,
        out_shape=jax.ShapeDtypeStruct((NRP, NRP), F32),
    )(zfpool, W2.T, b2[None], wq, bq[None], wk, bk[None])
    idx = _sc_topk(a_pad)[:NREG, :K_TOP]

    def _qmap(n, idx):
        return (n // NW, n % NW, 0)

    def _kmap(t):
        return lambda n, idx: (idx[n, t] // NW, idx[n, t] % NW, 1)

    def _vmap(t):
        return lambda n, idx: (idx[n, t] // NW, idx[n, t] % NW, 0)

    attn_out = pl.pallas_call(
        _k3_body,
        grid_spec=pltpu.PrefetchScalarGridSpec(
            num_scalar_prefetch=1,
            grid=(NREG,),
            in_specs=[pl.BlockSpec((RS, RS, DP), _qmap)]
            + [pl.BlockSpec((RS, RS, DP), _kmap(t)) for t in range(K_TOP)]
            + [pl.BlockSpec((RS, RS, DP), _vmap(t)) for t in range(K_TOP)],
            out_specs=pl.BlockSpec((RS, RS, DP), _qmap),
        ),
        compiler_params=pltpu.CompilerParams(
            dimension_semantics=("parallel",)),
        out_shape=jax.ShapeDtypeStruct((H, H, DP), FP8),
    )(idx, *([qk_t] * 5), *([v_t] * 4))

    vpad = jnp.pad(v_t, ((2, 2), (2, 2), (0, 0)))
    wl = jnp.pad(_pad_heads(Wlepe.reshape(D, 25).T), ((0, 7), (0, 0)))
    bl_pad = _pad_heads(blepe[None])
    CB = 128
    lepe = pl.pallas_call(
        _k4_body,
        grid=(DP // CB,),
        compiler_params=pltpu.CompilerParams(
            dimension_semantics=("parallel",)),
        in_specs=[
            pl.BlockSpec((H + 4, H + 4, CB), lambda c: (0, 0, c)),
            pl.BlockSpec((32, CB), lambda c: (0, c)),
            pl.BlockSpec((1, CB), lambda c: (0, c)),
        ],
        out_specs=pl.BlockSpec((H, H, CB), lambda c: (0, 0, c)),
        out_shape=jax.ShapeDtypeStruct((H, H, DP), FP8),
    )(vpad, wl, bl_pad)

    wout_pad = jnp.pad(Wout.T.reshape(NH, HD, D), ((0, 0), (0, HP - HD),
                                                   (0, 0))).reshape(DP, D)

    ntok = H * H
    TB = 256
    out_flat = pl.pallas_call(
        _k5_body,
        grid=(ntok // TB,),
        compiler_params=pltpu.CompilerParams(
            dimension_semantics=("parallel",)),
        in_specs=[
            pl.BlockSpec((TB, DP), lambda n: (n, 0)),
            pl.BlockSpec((TB, DP), lambda n: (n, 0)),
            pl.BlockSpec((TB, C_IN), lambda n: (n, 0)),
            pl.BlockSpec((DP, D), lambda n: (0, 0)),
            pl.BlockSpec((1, D), lambda n: (0, 0)),
            pl.BlockSpec((D, C_IN), lambda n: (0, 0)),
            pl.BlockSpec((1, C_IN), lambda n: (0, 0)),
        ],
        out_specs=pl.BlockSpec((TB, C_IN), lambda n: (n, 0)),
        out_shape=jax.ShapeDtypeStruct((ntok, C_IN), F32),
    )(attn_out.reshape(ntok, DP), lepe.reshape(ntok, DP),
      zf_t.reshape(ntok, C_IN), (wout_pad * WS).astype(FP8), bout[None],
      (W3.T * WS).astype(FP8), b3[None])

    return jnp.transpose(out_flat.reshape(H, H, C_IN), (2, 0, 1))[None]

# --- scband reference (transcript-rebuilt; emitter-appended) ---
"""Pipeline reference for scband-mobile-vi-tattention-46866683134140 (READ-ONLY COPY).

The authoritative reference and input builder live on the scoring server;
editing this copy changes nothing except your own understanding.
"""

import jax, jax.numpy as jnp
import numpy as np

NUM_HEADS = 8
TOPK = 4
N_WIN = 7
DIM = 768
IN_CH = 384


def setup_inputs(seed: int = 0) -> dict:
    key = jax.random.key(seed)
    ks = jax.random.split(key, 8)
    d, c = DIM, IN_CH
    return {
        "zf": jax.random.normal(ks[0], (1, c, 112, 112), dtype=jnp.float32),
        "W2": jax.random.normal(ks[1], (d, c), dtype=jnp.float32) * 0.02,
        "b2": jnp.zeros((d,), dtype=jnp.float32),
        "Wqkv": jax.random.normal(ks[2], (3 * d, d), dtype=jnp.float32) * 0.02,
        "bqkv": jnp.zeros((3 * d,), dtype=jnp.float32),
        "Wlepe": jax.random.normal(ks[3], (d, 1, 5, 5), dtype=jnp.float32) * 0.02,
        "blepe": jnp.zeros((d,), dtype=jnp.float32),
        "Wout": jax.random.normal(ks[4], (d, d), dtype=jnp.float32) * 0.02,
        "bout": jnp.zeros((d,), dtype=jnp.float32),
        "W3": jax.random.normal(ks[5], (c, d), dtype=jnp.float32) * 0.02,
        "b3": jnp.zeros((c,), dtype=jnp.float32),
    }


def _conv1x1(x, W, b):
    return jnp.einsum('bchw,dc->bdhw', x, W) + b[None, :, None, None]


def _grid2seq(x, region_size, num_heads):
    B, C, H, W = x.shape
    rh, rw = H // region_size[0], W // region_size[1]
    hd = C // num_heads
    x = x.reshape(B, num_heads, hd, rh, region_size[0], rw, region_size[1])
    x = jnp.transpose(x, (0, 1, 3, 5, 4, 6, 2))
    x = x.reshape(B, num_heads, rh * rw, region_size[0] * region_size[1], hd)
    return x, rh, rw


def _seq2grid(x, rh, rw, region_size):
    B, nh, nreg, rs2, hd = x.shape
    x = x.reshape(B, nh, rh, rw, region_size[0], region_size[1], hd)
    x = jnp.transpose(x, (0, 1, 6, 2, 4, 3, 5))
    return x.reshape(B, nh * hd, rh * region_size[0], rw * region_size[1])


def _bra(x, Wqkv, bqkv, Wlepe, blepe, Wout, bout):
    B, C, H, W = x.shape
    nh = NUM_HEADS
    hd = C // nh
    scale = hd ** -0.5
    region_size = (H // N_WIN, W // N_WIN)
    qkv = _conv1x1(x, Wqkv, bqkv)
    q, k, v = jnp.split(qkv, 3, axis=1)
    # region-to-region routing on detached (stop-gradient) pooled q/k
    qd = jax.lax.stop_gradient(q)
    kd = jax.lax.stop_gradient(k)
    q_r = qd.reshape(B, C, N_WIN, region_size[0], N_WIN, region_size[1]).mean(axis=(3, 5))
    k_r = kd.reshape(B, C, N_WIN, region_size[0], N_WIN, region_size[1]).mean(axis=(3, 5))
    q_r = q_r.reshape(B, C, -1).transpose(0, 2, 1)  # (B, nreg, C)
    k_r = k_r.reshape(B, C, -1)                     # (B, C, nreg)
    a_r = q_r @ k_r                                 # (B, nreg, nreg)
    _, idx_r = jax.lax.top_k(a_r, TOPK)             # (B, nreg, topk)
    nreg = a_r.shape[1]
    idx_r = jnp.broadcast_to(idx_r[:, None, :, :], (B, nh, nreg, TOPK))
    # token-to-token attention over routed regions
    q_s, rh, rw = _grid2seq(q, region_size, nh)
    k_s, _, _ = _grid2seq(k, region_size, nh)
    v_s, _, _ = _grid2seq(v, region_size, nh)
    bidx = jnp.arange(B)[:, None, None, None]
    hidx = jnp.arange(nh)[None, :, None, None]
    k_g = k_s[bidx, hidx, idx_r]  # (B, nh, nreg, topk, rs2, hd)
    v_g = v_s[bidx, hidx, idx_r]
    rs2 = k_s.shape[3]
    k_g = k_g.reshape(B, nh, nreg, TOPK * rs2, hd)
    v_g = v_g.reshape(B, nh, nreg, TOPK * rs2, hd)
    attn = jnp.einsum('bmnrd,bmnkd->bmnrk', q_s * scale, k_g)
    attn = jax.nn.softmax(attn, axis=-1)
    out = jnp.einsum('bmnrk,bmnkd->bmnrd', attn, v_g)
    out = _seq2grid(out, rh, rw, region_size)
    lepe = jax.lax.conv_general_dilated(v, Wlepe, (1, 1), 'SAME',
                                        dimension_numbers=('NCHW', 'OIHW', 'NCHW'),
                                        feature_group_count=C) + blepe[None, :, None, None]
    out = out + lepe
    return _conv1x1(out, Wout, bout)


def reference(zf, W2, b2, Wqkv, bqkv, Wlepe, blepe, Wout, bout, W3, b3):
    x = _conv1x1(zf, W2, b2)
    x = _bra(x, Wqkv, bqkv, Wlepe, blepe, Wout, bout)
    x = _conv1x1(x, W3, b3)
    return x + zf

if __name__ == "__main__":
    import jax
    _d = setup_inputs()
    print(jax.jit(kernel)(*tuple(_d.values())))

</pallas_src>

<mosaic_0001>
#map = affine_map<(d0, d1) -> (0, 0)>
module attributes {stable_mosaic.version = 14 : i64} {
  func.func @k(%arg0: i32, %arg1: i32, %arg2: memref<64x64xf32, #tpu.memory_space<hbm>>, %arg3: memref<64x16xi32, #tpu.memory_space<hbm>>, %arg4: memref<64xf32, #tpu.memory_space<vmem>>, %arg5: memref<16xi32, #tpu.memory_space<vmem>>) attributes {dimension_semantics = [#tpu.dimension_semantics<core_parallel>, #tpu.dimension_semantics<subcore_parallel>], iteration_bounds = array<i64: 2, 16>, scalar_prefetch = 0 : i64, scratch_operands = 2 : i64, tpu.core_type = #tpu.core_type<sc_vector_subcore>, window_params = [{transform_indices = #map}, {transform_indices = #map}]} {
    %mul3A = arith.constant 2 : i32
    %mul3A_0 = arith.muli %arg1, %mul3A : i32
    %add3A = arith.addi %mul3A_0, %arg0 : i32
    %iota3A = tpu.iota {dimensions = array<i32: 0>} : vector<16xi32>
    %mul3A_1 = arith.constant 2 : i32
    %mul3A_2 = arith.muli %add3A, %mul3A_1 : i32
    %add3A_3 = arith.constant 0 : i32
    %add3A_4 = arith.addi %mul3A_2, %add3A_3 : i32
    "tpu.region"() ({
      %run_scoped3A = tpu.sem_alloc : memref<!tpu.dma_semaphore, #tpu.memory_space<semaphore_mem>>
      %dma_start3A = arith.constant 0 : i32
      %dma_start3A_218 = tpu.memref_slice %arg2[%add3A_4, %dma_start3A] : memref<64x64xf32, #tpu.memory_space<hbm>> -> memref<1x64xf32, #tpu.memory_space<hbm>>
      %dma_start3A_219 = tpu.memref_squeeze %dma_start3A_218 : memref<1x64xf32, #tpu.memory_space<hbm>> -> memref<64xf32, #tpu.memory_space<hbm>>
      %dma_start3A_220 = arith.constant 0 : i32
      %dma_start3A_221 = tpu.memref_slice %arg2[%add3A_4, %dma_start3A_220] : memref<64x64xf32, #tpu.memory_space<hbm>> -> memref<1x64xf32, #tpu.memory_space<hbm>>
      %dma_start3A_222 = tpu.memref_squeeze %dma_start3A_221 : memref<1x64xf32, #tpu.memory_space<hbm>> -> memref<64xf32, #tpu.memory_space<hbm>>
      tpu.enqueue_dma source(%dma_start3A_222 : memref<64xf32, #tpu.memory_space<hbm>>) target(%arg4 : memref<64xf32, #tpu.memory_space<vmem>>) target_semaphore(%run_scoped3A : memref<!tpu.dma_semaphore, #tpu.memory_space<semaphore_mem>>)
      %dma_wait3A = arith.constant 0 : i32
      %dma_wait3A_223 = tpu.memref_slice %arg2[%add3A_4, %dma_wait3A] : memref<64x64xf32, #tpu.memory_space<hbm>> -> memref<1x64xf32, #tpu.memory_space<hbm>>
      %dma_wait3A_224 = tpu.memref_squeeze %dma_wait3A_223 : memref<1x64xf32, #tpu.memory_space<hbm>> -> memref<64xf32, #tpu.memory_space<hbm>>
      %dma_wait3A_225 = arith.constant 0 : i32
      %dma_wait3A_226 = tpu.memref_slice %arg2[%add3A_4, %dma_wait3A_225] : memref<64x64xf32, #tpu.memory_space<hbm>> -> memref<1x64xf32, #tpu.memory_space<hbm>>
      %dma_wait3A_227 = tpu.memref_squeeze %dma_wait3A_226 : memref<1x64xf32, #tpu.memory_space<hbm>> -> memref<64xf32, #tpu.memory_space<hbm>>
      tpu.wait_dma2 semaphore(%run_scoped3A : memref<!tpu.dma_semaphore, #tpu.memory_space<semaphore_mem>>) src(%dma_wait3A_227 : memref<64xf32, #tpu.memory_space<hbm>>) dst(%arg4 : memref<64xf32, #tpu.memory_space<vmem>>)
      tpu.yield
    }) : () -> ()
    %and3A = arith.constant 3 : i32
    %and3A_5 = vector.broadcast %and3A : i32 to vector<16xi32>
    %and3A_6 = arith.andi %iota3A, %and3A_5 : vector<16xi32>
    %broadcast_in_dim3A = arith.constant -3.000000e+38 : f32
    %broadcast_in_dim3A_7 = vector.broadcast %broadcast_in_dim3A : f32 to vector<16xf32>
    %broadcast_in_dim3A_8 = arith.constant 0 : i32
    %broadcast_in_dim3A_9 = vector.broadcast %broadcast_in_dim3A_8 : i32 to vector<16xi32>
    %get3A = arith.constant 0 : index
    %get3A_10 = tpu.vector_load %arg4[%get3A] {strides = array<i32>} : memref<64xf32, #tpu.memory_space<vmem>>, vector<16xf32>,
    %add3A_11 = arith.constant 0 : i32
    %add3A_12 = vector.broadcast %add3A_11 : i32 to vector<16xi32>
    %add3A_13 = arith.addi %iota3A, %add3A_12 : vector<16xi32>
    %masked_sort3A = arith.constant dense<true> : vector<16xi1>
    %masked_sort3A_14, %masked_sort3A_15, %masked_sort3A_16 = tpu.sort %get3A_10, %add3A_13 masked %masked_sort3A {descending = true} : (vector<16xf32>, vector<16xi32>, vector<16xi1>) -> (vector<16xi1>, vector<16xf32>, vector<16xi32>)
    %ge3A = arith.constant 0 : i32
    %ge3A_17 = vector.broadcast %ge3A : i32 to vector<16xi32>
    %ge3A_18 = arith.cmpi sge, %iota3A, %ge3A_17 : vector<16xi32>
    %lt3A = arith.constant 4 : i32
    %lt3A_19 = vector.broadcast %lt3A : i32 to vector<16xi32>
    %lt3A_20 = arith.cmpi slt, %iota3A, %lt3A_19 : vector<16xi32>
    %and3A_21 = arith.andi %ge3A_18, %lt3A_20 : vector<16xi1>
    %broadcast_in_dim3A_22 = vector.shape_cast %and3A_6 : vector<16xi32> to vector<16x1xi32>
    %gather3A = vector.shape_cast %broadcast_in_dim3A_22 : vector<16x1xi32> to vector<16xi32>
    %gather3A_23 = tpu.dynamic_gather %masked_sort3A_15[%gather3A] in [0] : vector<16xf32>, vector<16xi32> -> vector<16xf32>
    %select_n3A = arith.select %and3A_21, %gather3A_23, %broadcast_in_dim3A_7 : vector<16xi1>, vector<16xf32>
    %broadcast_in_dim3A_24 = vector.shape_cast %and3A_6 : vector<16xi32> to vector<16x1xi32>
    %gather3A_25 = vector.shape_cast %broadcast_in_dim3A_24 : vector<16x1xi32> to vector<16xi32>
    %gather3A_26 = tpu.dynamic_gather %masked_sort3A_16[%gather3A_25] in [0] : vector<16xi32>, vector<16xi32> -> vector<16xi32>
    %select_n3A_27 = arith.select %and3A_21, %gather3A_26, %broadcast_in_dim3A_9 : vector<16xi1>, vector<16xi32>
    %get3A_28 = arith.constant 16 : index
    %get3A_29 = tpu.vector_load %arg4[%get3A_28] {strides = array<i32>} : memref<64xf32, #tpu.memory_space<vmem>>, vector<16xf32>,
    %add3A_30 = arith.constant 16 : i32
    %add3A_31 = vector.broadcast %add3A_30 : i32 to vector<16xi32>
    %add3A_32 = arith.addi %iota3A, %add3A_31 : vector<16xi32>
    %masked_sort3A_33 = arith.constant dense<true> : vector<16xi1>
    %masked_sort3A_34, %masked_sort3A_35, %masked_sort3A_36 = tpu.sort %get3A_29, %add3A_32 masked %masked_sort3A_33 {descending = true} : (vector<16xf32>, vector<16xi32>, vector<16xi1>) -> (vector<16xi1>, vector<16xf32>, vector<16xi32>)
    %ge3A_37 = arith.constant 4 : i32
    %ge3A_38 = vector.broadcast %ge3A_37 : i32 to vector<16xi32>
    %ge3A_39 = arith.cmpi sge, %iota3A, %ge3A_38 : vector<16xi32>
    %lt3A_40 = arith.constant 8 : i32
    %lt3A_41 = vector.broadcast %lt3A_40 : i32 to vector<16xi32>
    %lt3A_42 = arith.cmpi slt, %iota3A, %lt3A_41 : vector<16xi32>
    %and3A_43 = arith.andi %ge3A_39, %lt3A_42 : vector<16xi1>
    %broadcast_in_dim3A_44 = vector.shape_cast %and3A_6 : vector<16xi32> to vector<16x1xi32>
    %gather3A_45 = vector.shape_cast %broadcast_in_dim3A_44 : vector<16x1xi32> to vector<16xi32>
    %gather3A_46 = tpu.dynamic_gather %masked_sort3A_35[%gather3A_45] in [0] : vector<16xf32>, vector<16xi32> -> vector<16xf32>
    %select_n3A_47 = arith.select %and3A_43, %gather3A_46, %select_n3A : vector<16xi1>, vector<16xf32>
    %broadcast_in_dim3A_48 = vector.shape_cast %and3A_6 : vector<16xi32> to vector<16x1xi32>
    %gather3A_49 = vector.shape_cast %broadcast_in_dim3A_48 : vector<16x1xi32> to vector<16xi32>
    %gather3A_50 = tpu.dynamic_gather %masked_sort3A_36[%gather3A_49] in [0] : vector<16xi32>, vector<16xi32> -> vector<16xi32>
    %select_n3A_51 = arith.select %and3A_43, %gather3A_50, %select_n3A_27 : vector<16xi1>, vector<16xi32>
    %get3A_52 = arith.constant 32 : index
    %get3A_53 = tpu.vector_load %arg4[%get3A_52] {strides = array<i32>} : memref<64xf32, #tpu.memory_space<vmem>>, vector<16xf32>,
    %add3A_54 = arith.constant 32 : i32
    %add3A_55 = vector.broadcast %add3A_54 : i32 to vector<16xi32>
    %add3A_56 = arith.addi %iota3A, %add3A_55 : vector<16xi32>
    %masked_sort3A_57 = arith.constant dense<true> : vector<16xi1>
    %masked_sort3A_58, %masked_sort3A_59, %masked_sort3A_60 = tpu.sort %get3A_53, %add3A_56 masked %masked_sort3A_57 {descending = true} : (vector<16xf32>, vector<16xi32>, vector<16xi1>) -> (vector<16xi1>, vector<16xf32>, vector<16xi32>)
    %ge3A_61 = arith.constant 8 : i32
    %ge3A_62 = vector.broadcast %ge3A_61 : i32 to vector<16xi32>
    %ge3A_63 = arith.cmpi sge, %iota3A, %ge3A_62 : vector<16xi32>
    %lt3A_64 = arith.constant 12 : i32
    %lt3A_65 = vector.broadcast %lt3A_64 : i32 to vector<16xi32>
    %lt3A_66 = arith.cmpi slt, %iota3A, %lt3A_65 : vector<16xi32>
    %and3A_67 = arith.andi %ge3A_63, %lt3A_66 : vector<16xi1>
    %broadcast_in_dim3A_68 = vector.shape_cast %and3A_6 : vector<16xi32> to vector<16x1xi32>
    %gather3A_69 = vector.shape_cast %broadcast_in_dim3A_68 : vector<16x1xi32> to vector<16xi32>
    %gather3A_70 = tpu.dynamic_gather %masked_sort3A_59[%gather3A_69] in [0] : vector<16xf32>, vector<16xi32> -> vector<16xf32>
    %select_n3A_71 = arith.select %and3A_67, %gather3A_70, %select_n3A_47 : vector<16xi1>, vector<16xf32>
    %broadcast_in_dim3A_72 = vector.shape_cast %and3A_6 : vector<16xi32> to vector<16x1xi32>
    %gather3A_73 = vector.shape_cast %broadcast_in_dim3A_72 : vector<16x1xi32> to vector<16xi32>
    %gather3A_74 = tpu.dynamic_gather %masked_sort3A_60[%gather3A_73] in [0] : vector<16xi32>, vector<16xi32> -> vector<16xi32>
    %select_n3A_75 = arith.select %and3A_67, %gather3A_74, %select_n3A_51 : vector<16xi1>, vector<16xi32>
    %get3A_76 = arith.constant 48 : index
    %get3A_77 = tpu.vector_load %arg4[%get3A_76] {strides = array<i32>} : memref<64xf32, #tpu.memory_space<vmem>>, vector<16xf32>,
    %add3A_78 = arith.constant 48 : i32
    %add3A_79 = vector.broadcast %add3A_78 : i32 to vector<16xi32>
    %add3A_80 = arith.addi %iota3A, %add3A_79 : vector<16xi32>
    %masked_sort3A_81 = arith.constant dense<true> : vector<16xi1>
    %masked_sort3A_82, %masked_sort3A_83, %masked_sort3A_84 = tpu.sort %get3A_77, %add3A_80 masked %masked_sort3A_81 {descending = true} : (vector<16xf32>, vector<16xi32>, vector<16xi1>) -> (vector<16xi1>, vector<16xf32>, vector<16xi32>)
    %ge3A_85 = arith.constant 12 : i32
    %ge3A_86 = vector.broadcast %ge3A_85 : i32 to vector<16xi32>
    %ge3A_87 = arith.cmpi sge, %iota3A, %ge3A_86 : vector<16xi32>
    %lt3A_88 = arith.constant 16 : i32
    %lt3A_89 = vector.broadcast %lt3A_88 : i32 to vector<16xi32>
    %lt3A_90 = arith.cmpi slt, %iota3A, %lt3A_89 : vector<16xi32>
    %and3A_91 = arith.andi %ge3A_87, %lt3A_90 : vector<16xi1>
    %broadcast_in_dim3A_92 = vector.shape_cast %and3A_6 : vector<16xi32> to vector<16x1xi32>
    %gather3A_93 = vector.shape_cast %broadcast_in_dim3A_92 : vector<16x1xi32> to vector<16xi32>
    %gather3A_94 = tpu.dynamic_gather %masked_sort3A_83[%gather3A_93] in [0] : vector<16xf32>, vector<16xi32> -> vector<16xf32>
    %select_n3A_95 = arith.select %and3A_91, %gather3A_94, %select_n3A_71 : vector<16xi1>, vector<16xf32>
    %broadcast_in_dim3A_96 = vector.shape_cast %and3A_6 : vector<16xi32> to vector<16x1xi32>
    %gather3A_97 = vector.shape_cast %broadcast_in_dim3A_96 : vector<16x1xi32> to vector<16xi32>
    %gather3A_98 = tpu.dynamic_gather %masked_sort3A_84[%gather3A_97] in [0] : vector<16xi32>, vector<16xi32> -> vector<16xi32>
    %select_n3A_99 = arith.select %and3A_91, %gather3A_98, %select_n3A_75 : vector<16xi1>, vector<16xi32>
    %masked_sort3A_100 = arith.constant dense<true> : vector<16xi1>
    %masked_sort3A_101, %masked_sort3A_102, %masked_sort3A_103 = tpu.sort %select_n3A_95, %select_n3A_99 masked %masked_sort3A_100 {descending = true} : (vector<16xf32>, vector<16xi32>, vector<16xi1>) -> (vector<16xi1>, vector<16xf32>, vector<16xi32>)
    %swap3A = arith.constant 0 : index
    %swap3A_104 = tpu.vector_load %arg5[%swap3A] {strides = array<i32>} : memref<16xi32, #tpu.memory_space<vmem>>, vector<16xi32>,
    tpu.vector_store %arg5[%swap3A], %masked_sort3A_103 {strides = array<i32>} : memref<16xi32, #tpu.memory_space<vmem>>, vector<16xi32>,
    "tpu.region"() ({
      %run_scoped3A = tpu.sem_alloc : memref<!tpu.dma_semaphore, #tpu.memory_space<semaphore_mem>>
      %dma_start3A = arith.constant 0 : i32
      %dma_start3A_218 = tpu.memref_slice %arg3[%add3A_4, %dma_start3A] : memref<64x16xi32, #tpu.memory_space<hbm>> -> memref<1x16xi32, #tpu.memory_space<hbm>>
      %dma_start3A_219 = tpu.memref_squeeze %dma_start3A_218 : memref<1x16xi32, #tpu.memory_space<hbm>> -> memref<16xi32, #tpu.memory_space<hbm>>
      %dma_start3A_220 = arith.constant 0 : i32
      %dma_start3A_221 = tpu.memref_slice %arg3[%add3A_4, %dma_start3A_220] : memref<64x16xi32, #tpu.memory_space<hbm>> -> memref<1x16xi32, #tpu.memory_space<hbm>>
      %dma_start3A_222 = tpu.memref_squeeze %dma_start3A_221 : memref<1x16xi32, #tpu.memory_space<hbm>> -> memref<16xi32, #tpu.memory_space<hbm>>
      tpu.enqueue_dma source(%arg5 : memref<16xi32, #tpu.memory_space<vmem>>) target(%dma_start3A_222 : memref<16xi32, #tpu.memory_space<hbm>>) target_semaphore(%run_scoped3A : memref<!tpu.dma_semaphore, #tpu.memory_space<semaphore_mem>>)
      %dma_wait3A = arith.constant 0 : i32
      %dma_wait3A_223 = tpu.memref_slice %arg3[%add3A_4, %dma_wait3A] : memref<64x16xi32, #tpu.memory_space<hbm>> -> memref<1x16xi32, #tpu.memory_space<hbm>>
      %dma_wait3A_224 = tpu.memref_squeeze %dma_wait3A_223 : memref<1x16xi32, #tpu.memory_space<hbm>> -> memref<16xi32, #tpu.memory_space<hbm>>
      %dma_wait3A_225 = arith.constant 0 : i32
      %dma_wait3A_226 = tpu.memref_slice %arg3[%add3A_4, %dma_wait3A_225] : memref<64x16xi32, #tpu.memory_space<hbm>> -> memref<1x16xi32, #tpu.memory_space<hbm>>
      %dma_wait3A_227 = tpu.memref_squeeze %dma_wait3A_226 : memref<1x16xi32, #tpu.memory_space<hbm>> -> memref<16xi32, #tpu.memory_space<hbm>>
      tpu.wait_dma2 semaphore(%run_scoped3A : memref<!tpu.dma_semaphore, #tpu.memory_space<semaphore_mem>>) src(%arg5 : memref<16xi32, #tpu.memory_space<vmem>>) dst(%dma_wait3A_227 : memref<16xi32, #tpu.memory_space<hbm>>)
      tpu.yield
    }) : () -> ()
    %mul3A_105 = arith.constant 2 : i32
    %mul3A_106 = arith.muli %add3A, %mul3A_105 : i32
    %add3A_107 = arith.constant 1 : i32
    %add3A_108 = arith.addi %mul3A_106, %add3A_107 : i32
    "tpu.region"() ({
      %run_scoped3A = tpu.sem_alloc : memref<!tpu.dma_semaphore, #tpu.memory_space<semaphore_mem>>
      %dma_start3A = arith.constant 0 : i32
      %dma_start3A_218 = tpu.memref_slice %arg2[%add3A_108, %dma_start3A] : memref<64x64xf32, #tpu.memory_space<hbm>> -> memref<1x64xf32, #tpu.memory_space<hbm>>
      %dma_start3A_219 = tpu.memref_squeeze %dma_start3A_218 : memref<1x64xf32, #tpu.memory_space<hbm>> -> memref<64xf32, #tpu.memory_space<hbm>>
      %dma_start3A_220 = arith.constant 0 : i32
      %dma_start3A_221 = tpu.memref_slice %arg2[%add3A_108, %dma_start3A_220] : memref<64x64xf32, #tpu.memory_space<hbm>> -> memref<1x64xf32, #tpu.memory_space<hbm>>
      %dma_start3A_222 = tpu.memref_squeeze %dma_start3A_221 : memref<1x64xf32, #tpu.memory_space<hbm>> -> memref<64xf32, #tpu.memory_space<hbm>>
      tpu.enqueue_dma source(%dma_start3A_222 : memref<64xf32, #tpu.memory_space<hbm>>) target(%arg4 : memref<64xf32, #tpu.memory_space<vmem>>) target_semaphore(%run_scoped3A : memref<!tpu.dma_semaphore, #tpu.memory_space<semaphore_mem>>)
      %dma_wait3A = arith.constant 0 : i32
      %dma_wait3A_223 = tpu.memref_slice %arg2[%add3A_108, %dma_wait3A] : memref<64x64xf32, #tpu.memory_space<hbm>> -> memref<1x64xf32, #tpu.memory_space<hbm>>
      %dma_wait3A_224 = tpu.memref_squeeze %dma_wait3A_223 : memref<1x64xf32, #tpu.memory_space<hbm>> -> memref<64xf32, #tpu.memory_space<hbm>>
      %dma_wait3A_225 = arith.constant 0 : i32
      %dma_wait3A_226 = tpu.memref_slice %arg2[%add3A_108, %dma_wait3A_225] : memref<64x64xf32, #tpu.memory_space<hbm>> -> memref<1x64xf32, #tpu.memory_space<hbm>>
      %dma_wait3A_227 = tpu.memref_squeeze %dma_wait3A_226 : memref<1x64xf32, #tpu.memory_space<hbm>> -> memref<64xf32, #tpu.memory_space<hbm>>
      tpu.wait_dma2 semaphore(%run_scoped3A : memref<!tpu.dma_semaphore, #tpu.memory_space<semaphore_mem>>) src(%dma_wait3A_227 : memref<64xf32, #tpu.memory_space<hbm>>) dst(%arg4 : memref<64xf32, #tpu.memory_space<vmem>>)
      tpu.yield
    }) : () -> ()
    %and3A_109 = arith.constant 3 : i32
    %and3A_110 = vector.broadcast %and3A_109 : i32 to vector<16xi32>
    %and3A_111 = arith.andi %iota3A, %and3A_110 : vector<16xi32>
    %broadcast_in_dim3A_112 = arith.constant -3.000000e+38 : f32
    %broadcast_in_dim3A_113 = vector.broadcast %broadcast_in_dim3A_112 : f32 to vector<16xf32>
    %broadcast_in_dim3A_114 = arith.constant 0 : i32
    %broadcast_in_dim3A_115 = vector.broadcast %broadcast_in_dim3A_114 : i32 to vector<16xi32>
    %get3A_116 = arith.constant 0 : index
    %get3A_117 = tpu.vector_load %arg4[%get3A_116] {strides = array<i32>} : memref<64xf32, #tpu.memory_space<vmem>>, vector<16xf32>,
    %add3A_118 = arith.constant 0 : i32
    %add3A_119 = vector.broadcast %add3A_118 : i32 to vector<16xi32>
    %add3A_120 = arith.addi %iota3A, %add3A_119 : vector<16xi32>
    %masked_sort3A_121 = arith.constant dense<true> : vector<16xi1>
    %masked_sort3A_122, %masked_sort3A_123, %masked_sort3A_124 = tpu.sort %get3A_117, %add3A_120 masked %masked_sort3A_121 {descending = true} : (vector<16xf32>, vector<16xi32>, vector<16xi1>) -> (vector<16xi1>, vector<16xf32>, vector<16xi32>)
    %ge3A_125 = arith.constant 0 : i32
    %ge3A_126 = vector.broadcast %ge3A_125 : i32 to vector<16xi32>
    %ge3A_127 = arith.cmpi sge, %iota3A, %ge3A_126 : vector<16xi32>
    %lt3A_128 = arith.constant 4 : i32
    %lt3A_129 = vector.broadcast %lt3A_128 : i32 to vector<16xi32>
    %lt3A_130 = arith.cmpi slt, %iota3A, %lt3A_129 : vector<16xi32>
    %and3A_131 = arith.andi %ge3A_127, %lt3A_130 : vector<16xi1>
    %broadcast_in_dim3A_132 = vector.shape_cast %and3A_111 : vector<16xi32> to vector<16x1xi32>
    %gather3A_133 = vector.shape_cast %broadcast_in_dim3A_132 : vector<16x1xi32> to vector<16xi32>
    %gather3A_134 = tpu.dynamic_gather %masked_sort3A_123[%gather3A_133] in [0] : vector<16xf32>, vector<16xi32> -> vector<16xf32>
    %select_n3A_135 = arith.select %and3A_131, %gather3A_134, %broadcast_in_dim3A_113 : vector<16xi1>, vector<16xf32>
    %broadcast_in_dim3A_136 = vector.shape_cast %and3A_111 : vector<16xi32> to vector<16x1xi32>
    %gather3A_137 = vector.shape_cast %broadcast_in_dim3A_136 : vector<16x1xi32> to vector<16xi32>
    %gather3A_138 = tpu.dynamic_gather %masked_sort3A_124[%gather3A_137] in [0] : vector<16xi32>, vector<16xi32> -> vector<16xi32>
    %select_n3A_139 = arith.select %and3A_131, %gather3A_138, %broadcast_in_dim3A_115 : vector<16xi1>, vector<16xi32>
    %get3A_140 = arith.constant 16 : index
    %get3A_141 = tpu.vector_load %arg4[%get3A_140] {strides = array<i32>} : memref<64xf32, #tpu.memory_space<vmem>>, vector<16xf32>,
    %add3A_142 = arith.constant 16 : i32
    %add3A_143 = vector.broadcast %add3A_142 : i32 to vector<16xi32>
    %add3A_144 = arith.addi %iota3A, %add3A_143 : vector<16xi32>
    %masked_sort3A_145 = arith.constant dense<true> : vector<16xi1>
    %masked_sort3A_146, %masked_sort3A_147, %masked_sort3A_148 = tpu.sort %get3A_141, %add3A_144 masked %masked_sort3A_145 {descending = true} : (vector<16xf32>, vector<16xi32>, vector<16xi1>) -> (vector<16xi1>, vector<16xf32>, vector<16xi32>)
    %ge3A_149 = arith.constant 4 : i32
    %ge3A_150 = vector.broadcast %ge3A_149 : i32 to vector<16xi32>
    %ge3A_151 = arith.cmpi sge, %iota3A, %ge3A_150 : vector<16xi32>
    %lt3A_152 = arith.constant 8 : i32
    %lt3A_153 = vector.broadcast %lt3A_152 : i32 to vector<16xi32>
    %lt3A_154 = arith.cmpi slt, %iota3A, %lt3A_153 : vector<16xi32>
    %and3A_155 = arith.andi %ge3A_151, %lt3A_154 : vector<16xi1>
    %broadcast_in_dim3A_156 = vector.shape_cast %and3A_111 : vector<16xi32> to vector<16x1xi32>
    %gather3A_157 = vector.shape_cast %broadcast_in_dim3A_156 : vector<16x1xi32> to vector<16xi32>
    %gather3A_158 = tpu.dynamic_gather %masked_sort3A_147[%gather3A_157] in [0] : vector<16xf32>, vector<16xi32> -> vector<16xf32>
    %select_n3A_159 = arith.select %and3A_155, %gather3A_158, %select_n3A_135 : vector<16xi1>, vector<16xf32>
    %broadcast_in_dim3A_160 = vector.shape_cast %and3A_111 : vector<16xi32> to vector<16x1xi32>
    %gather3A_161 = vector.shape_cast %broadcast_in_dim3A_160 : vector<16x1xi32> to vector<16xi32>
    %gather3A_162 = tpu.dynamic_gather %masked_sort3A_148[%gather3A_161] in [0] : vector<16xi32>, vector<16xi32> -> vector<16xi32>
    %select_n3A_163 = arith.select %and3A_155, %gather3A_162, %select_n3A_139 : vector<16xi1>, vector<16xi32>
    %get3A_164 = arith.constant 32 : index
    %get3A_165 = tpu.vector_load %arg4[%get3A_164] {strides = array<i32>} : memref<64xf32, #tpu.memory_space<vmem>>, vector<16xf32>,
    %add3A_166 = arith.constant 32 : i32
    %add3A_167 = vector.broadcast %add3A_166 : i32 to vector<16xi32>
    %add3A_168 = arith.addi %iota3A, %add3A_167 : vector<16xi32>
    %masked_sort3A_169 = arith.constant dense<true> : vector<16xi1>
    %masked_sort3A_170, %masked_sort3A_171, %masked_sort3A_172 = tpu.sort %get3A_165, %add3A_168 masked %masked_sort3A_169 {descending = true} : (vector<16xf32>, vector<16xi32>, vector<16xi1>) -> (vector<16xi1>, vector<16xf32>, vector<16xi32>)
    %ge3A_173 = arith.constant 8 : i32
    %ge3A_174 = vector.broadcast %ge3A_173 : i32 to vector<16xi32>
    %ge3A_175 = arith.cmpi sge, %iota3A, %ge3A_174 : vector<16xi32>
    %lt3A_176 = arith.constant 12 : i32
    %lt3A_177 = vector.broadcast %lt3A_176 : i32 to vector<16xi32>
    %lt3A_178 = arith.cmpi slt, %iota3A, %lt3A_177 : vector<16xi32>
    %and3A_179 = arith.andi %ge3A_175, %lt3A_178 : vector<16xi1>
    %broadcast_in_dim3A_180 = vector.shape_cast %and3A_111 : vector<16xi32> to vector<16x1xi32>
    %gather3A_181 = vector.shape_cast %broadcast_in_dim3A_180 : vector<16x1xi32> to vector<16xi32>
    %gather3A_182 = tpu.dynamic_gather %masked_sort3A_171[%gather3A_181] in [0] : vector<16xf32>, vector<16xi32> -> vector<16xf32>
    %select_n3A_183 = arith.select %and3A_179, %gather3A_182, %select_n3A_159 : vector<16xi1>, vector<16xf32>
    %broadcast_in_dim3A_184 = vector.shape_cast %and3A_111 : vector<16xi32> to vector<16x1xi32>
    %gather3A_185 = vector.shape_cast %broadcast_in_dim3A_184 : vector<16x1xi32> to vector<16xi32>
    %gather3A_186 = tpu.dynamic_gather %masked_sort3A_172[%gather3A_185] in [0] : vector<16xi32>, vector<16xi32> -> vector<16xi32>
    %select_n3A_187 = arith.select %and3A_179, %gather3A_186, %select_n3A_163 : vector<16xi1>, vector<16xi32>
    %get3A_188 = arith.constant 48 : index
    %get3A_189 = tpu.vector_load %arg4[%get3A_188] {strides = array<i32>} : memref<64xf32, #tpu.memory_space<vmem>>, vector<16xf32>,
    %add3A_190 = arith.constant 48 : i32
    %add3A_191 = vector.broadcast %add3A_190 : i32 to vector<16xi32>
    %add3A_192 = arith.addi %iota3A, %add3A_191 : vector<16xi32>
    %masked_sort3A_193 = arith.constant dense<true> : vector<16xi1>
    %masked_sort3A_194, %masked_sort3A_195, %masked_sort3A_196 = tpu.sort %get3A_189, %add3A_192 masked %masked_sort3A_193 {descending = true} : (vector<16xf32>, vector<16xi32>, vector<16xi1>) -> (vector<16xi1>, vector<16xf32>, vector<16xi32>)
    %ge3A_197 = arith.constant 12 : i32
    %ge3A_198 = vector.broadcast %ge3A_197 : i32 to vector<16xi32>
    %ge3A_199 = arith.cmpi sge, %iota3A, %ge3A_198 : vector<16xi32>
    %lt3A_200 = arith.constant 16 : i32
    %lt3A_201 = vector.broadcast %lt3A_200 : i32 to vector<16xi32>
    %lt3A_202 = arith.cmpi slt, %iota3A, %lt3A_201 : vector<16xi32>
    %and3A_203 = arith.andi %ge3A_199, %lt3A_202 : vector<16xi1>
    %broadcast_in_dim3A_204 = vector.shape_cast %and3A_111 : vector<16xi32> to vector<16x1xi32>
    %gather3A_205 = vector.shape_cast %broadcast_in_dim3A_204 : vector<16x1xi32> to vector<16xi32>
    %gather3A_206 = tpu.dynamic_gather %masked_sort3A_195[%gather3A_205] in [0] : vector<16xf32>, vector<16xi32> -> vector<16xf32>
    %select_n3A_207 = arith.select %and3A_203, %gather3A_206, %select_n3A_183 : vector<16xi1>, vector<16xf32>
    %broadcast_in_dim3A_208 = vector.shape_cast %and3A_111 : vector<16xi32> to vector<16x1xi32>
    %gather3A_209 = vector.shape_cast %broadcast_in_dim3A_208 : vector<16x1xi32> to vector<16xi32>
    %gather3A_210 = tpu.dynamic_gather %masked_sort3A_196[%gather3A_209] in [0] : vector<16xi32>, vector<16xi32> -> vector<16xi32>
    %select_n3A_211 = arith.select %and3A_203, %gather3A_210, %select_n3A_187 : vector<16xi1>, vector<16xi32>
    %masked_sort3A_212 = arith.constant dense<true> : vector<16xi1>
    %masked_sort3A_213, %masked_sort3A_214, %masked_sort3A_215 = tpu.sort %select_n3A_207, %select_n3A_211 masked %masked_sort3A_212 {descending = true} : (vector<16xf32>, vector<16xi32>, vector<16xi1>) -> (vector<16xi1>, vector<16xf32>, vector<16xi32>)
    %swap3A_216 = arith.constant 0 : index
    %swap3A_217 = tpu.vector_load %arg5[%swap3A_216] {strides = array<i32>} : memref<16xi32, #tpu.memory_space<vmem>>, vector<16xi32>,
    tpu.vector_store %arg5[%swap3A_216], %masked_sort3A_215 {strides = array<i32>} : memref<16xi32, #tpu.memory_space<vmem>>, vector<16xi32>,
    "tpu.region"() ({
      %run_scoped3A = tpu.sem_alloc : memref<!tpu.dma_semaphore, #tpu.memory_space<semaphore_mem>>
      %dma_start3A = arith.constant 0 : i32
      %dma_start3A_218 = tpu.memref_slice %arg3[%add3A_108, %dma_start3A] : memref<64x16xi32, #tpu.memory_space<hbm>> -> memref<1x16xi32, #tpu.memory_space<hbm>>
      %dma_start3A_219 = tpu.memref_squeeze %dma_start3A_218 : memref<1x16xi32, #tpu.memory_space<hbm>> -> memref<16xi32, #tpu.memory_space<hbm>>
      %dma_start3A_220 = arith.constant 0 : i32
      %dma_start3A_221 = tpu.memref_slice %arg3[%add3A_108, %dma_start3A_220] : memref<64x16xi32, #tpu.memory_space<hbm>> -> memref<1x16xi32, #tpu.memory_space<hbm>>
      %dma_start3A_222 = tpu.memref_squeeze %dma_start3A_221 : memref<1x16xi32, #tpu.memory_space<hbm>> -> memref<16xi32, #tpu.memory_space<hbm>>
      tpu.enqueue_dma source(%arg5 : memref<16xi32, #tpu.memory_space<vmem>>) target(%dma_start3A_222 : memref<16xi32, #tpu.memory_space<hbm>>) target_semaphore(%run_scoped3A : memref<!tpu.dma_semaphore, #tpu.memory_space<semaphore_mem>>)
      %dma_wait3A = arith.constant 0 : i32
      %dma_wait3A_223 = tpu.memref_slice %arg3[%add3A_108, %dma_wait3A] : memref<64x16xi32, #tpu.memory_space<hbm>> -> memref<1x16xi32, #tpu.memory_space<hbm>>
      %dma_wait3A_224 = tpu.memref_squeeze %dma_wait3A_223 : memref<1x16xi32, #tpu.memory_space<hbm>> -> memref<16xi32, #tpu.memory_space<hbm>>
      %dma_wait3A_225 = arith.constant 0 : i32
      %dma_wait3A_226 = tpu.memref_slice %arg3[%add3A_108, %dma_wait3A_225] : memref<64x16xi32, #tpu.memory_space<hbm>> -> memref<1x16xi32, #tpu.memory_space<hbm>>
      %dma_wait3A_227 = tpu.memref_squeeze %dma_wait3A_226 : memref<1x16xi32, #tpu.memory_space<hbm>> -> memref<16xi32, #tpu.memory_space<hbm>>
      tpu.wait_dma2 semaphore(%run_scoped3A : memref<!tpu.dma_semaphore, #tpu.memory_space<semaphore_mem>>) src(%arg5 : memref<16xi32, #tpu.memory_space<vmem>>) dst(%dma_wait3A_227 : memref<16xi32, #tpu.memory_space<hbm>>)
      tpu.yield
    }) : () -> ()
    return
  }
}

module attributes {stable_mosaic.version = 14 : i64} {
  func.func @_k1_body(%arg0: i32, %arg1: i32, %arg2: memref<16x16x384xf32, #tpu.memory_space<vmem>>, %arg3: memref<384x768xf8E4M3FN, #tpu.memory_space<vmem>>, %arg4: memref<1x768xf32, #tpu.memory_space<vmem>>, %arg5: memref<768x3072xf8E4M3FN, #tpu.memory_space<vmem>>, %arg6: memref<1x3072xf32, #tpu.memory_space<vmem>>, %arg7: memref<1x3072xf32, #tpu.memory_space<vmem>>, %arg8: memref<16x16x2048xf8E4M3FN, #tpu.memory_space<vmem>>, %arg9: memref<16x16x1024xf8E4M3FN, #tpu.memory_space<vmem>>, %arg10: memref<1x1x384xf32, #tpu.memory_space<vmem>>) attributes {dimension_semantics = [#tpu.dimension_semantics<parallel>, #tpu.dimension_semantics<parallel>], iteration_bounds = array<i64: 7, 7>, scalar_prefetch = 0 : i64, scratch_operands = 0 : i64, tpu.core_type = #tpu.core_type<tc>, window_params = [{transform_indices = @transform_0, window_bounds = array<i64: 16, 16, 384>}, {pipeline_mode = #tpu.pipeline_mode<synchronous>, transform_indices = @transform_1, window_bounds = array<i64: 384, 768>}, {pipeline_mode = #tpu.pipeline_mode<synchronous>, transform_indices = @transform_2, window_bounds = array<i64: 1, 768>}, {pipeline_mode = #tpu.pipeline_mode<synchronous>, transform_indices = @transform_3, window_bounds = array<i64: 768, 3072>}, {pipeline_mode = #tpu.pipeline_mode<synchronous>, transform_indices = @transform_4, window_bounds = array<i64: 1, 3072>}, {pipeline_mode = #tpu.pipeline_mode<synchronous>, transform_indices = @transform_5, window_bounds = array<i64: 1, 3072>}, {transform_indices = @transform_6, window_bounds = array<i64: 16, 16, 2048>}, {transform_indices = @transform_7, window_bounds = array<i64: 16, 16, 1024>}, {transform_indices = @transform_8, window_bounds = array<i64: 1, 1, 384>}]} {
    %get3A = arith.constant 0 : index
    %get3A_0 = arith.constant 0 : index
    %get3A_1 = arith.constant 0 : index
    %get3A_2 = vector.load %arg2[%get3A, %get3A_0, %get3A_1] : memref<16x16x384xf32, #tpu.memory_space<vmem>>, vector<16x16x384xf32>
    %reshape3A = vector.shape_cast %get3A_2 : vector<16x16x384xf32> to vector<256x384xf32>
    %reduce_sum3A = arith.constant dense<0.000000e+00> : vector<384xf32>
    %reduce_sum3A_3 = vector.multi_reduction <add>, %reshape3A, %reduce_sum3A [0] : vector<256x384xf32> to vector<384xf32>
    %div3A = arith.constant 2.560000e+02 : f32
    %div3A_4 = vector.broadcast %div3A : f32 to vector<384xf32>
    %div3A_5 = arith.divf %reduce_sum3A_3, %div3A_4 : vector<384xf32>
    %reshape3A_6 = vector.shape_cast %div3A_5 : vector<384xf32> to vector<1x1x384xf32>
    %swap3A = arith.constant 0 : index
    %swap3A_7 = arith.constant 0 : index
    %swap3A_8 = arith.constant 0 : index
    %swap3A_9 = vector.load %arg10[%swap3A, %swap3A_7, %swap3A_8] : memref<1x1x384xf32, #tpu.memory_space<vmem>>, vector<1x1x384xf32>
    tpu.vector_store %arg10[%swap3A, %swap3A_7, %swap3A_8], %reshape3A_6 {strides = array<i32>} : memref<1x1x384xf32, #tpu.memory_space<vmem>>, vector<1x1x384xf32>,
    %convert_element_type3A = arith.truncf %reshape3A : vector<256x384xf32> to vector<256x384xf8E4M3FN>
    %get3A_10 = arith.constant 0 : index
    %get3A_11 = arith.constant 0 : index
    %get3A_12 = vector.load %arg3[%get3A_10, %get3A_11] : memref<384x768xf8E4M3FN, #tpu.memory_space<vmem>>, vector<384x768xf8E4M3FN>
    %dot_general3A = arith.constant dense<0.000000e+00> : vector<256x768xf32>
    %dot_general3A_13 = tpu.matmul %convert_element_type3A, %get3A_12, %dot_general3A {dimension_numbers = #tpu.dot_dimension_numbers<[1], [0], [0], [1], [0, 0, 1, 1], [], []>, transpose_lhs_hint = false} : vector<256x384xf8E4M3FN>, vector<384x768xf8E4M3FN>, vector<256x768xf32> -> vector<256x768xf32>
    %mul3A = arith.constant 6.250000e-02 : f32
    %mul3A_14 = vector.broadcast %mul3A : f32 to vector<256x768xf32>
    %mul3A_15 = arith.mulf %dot_general3A_13, %mul3A_14 : vector<256x768xf32>
    %get3A_16 = arith.constant 0 : index
    %get3A_17 = arith.constant 0 : index
    %get3A_18 = vector.load %arg4[%get3A_16, %get3A_17] : memref<1x768xf32, #tpu.memory_space<vmem>>, vector<1x768xf32>
    %add3A = vector.broadcast %get3A_18 : vector<1x768xf32> to vector<256x768xf32>
    %add3A_19 = arith.addf %mul3A_15, %add3A : vector<256x768xf32>
    %convert_element_type3A_20 = arith.truncf %add3A_19 : vector<256x768xf32> to vector<256x768xf8E4M3FN>
    %get3A_21 = arith.constant 0 : index
    %get3A_22 = arith.constant 0 : index
    %get3A_23 = vector.load %arg5[%get3A_21, %get3A_22] : memref<768x3072xf8E4M3FN, #tpu.memory_space<vmem>>, vector<768x3072xf8E4M3FN>
    %dot_general3A_24 = arith.constant dense<0.000000e+00> : vector<256x3072xf32>
    %dot_general3A_25 = tpu.matmul %convert_element_type3A_20, %get3A_23, %dot_general3A_24 {dimension_numbers = #tpu.dot_dimension_numbers<[1], [0], [0], [1], [0, 0, 1, 1], [], []>, transpose_lhs_hint = false} : vector<256x768xf8E4M3FN>, vector<768x3072xf8E4M3FN>, vector<256x3072xf32> -> vector<256x3072xf32>
    %get3A_26 = arith.constant 0 : index
    %get3A_27 = arith.constant 0 : index
    %get3A_28 = vector.load %arg7[%get3A_26, %get3A_27] : memref<1x3072xf32, #tpu.memory_space<vmem>>, vector<1x3072xf32>
    %get3A_29 = vector.shape_cast %get3A_28 : vector<1x3072xf32> to vector<1x3072xf32>
    %mul3A_30 = vector.broadcast %get3A_29 : vector<1x3072xf32> to vector<256x3072xf32>
    %mul3A_31 = arith.mulf %dot_general3A_25, %mul3A_30 : vector<256x3072xf32>
    %get3A_32 = arith.constant 0 : index
    %get3A_33 = arith.constant 0 : index
    %get3A_34 = vector.load %arg6[%get3A_32, %get3A_33] : memref<1x3072xf32, #tpu.memory_space<vmem>>, vector<1x3072xf32>
    %add3A_35 = vector.broadcast %get3A_34 : vector<1x3072xf32> to vector<256x3072xf32>
    %add3A_36 = arith.addf %mul3A_31, %add3A_35 : vector<256x3072xf32>
    %convert_element_type3A_37 = arith.truncf %add3A_36 : vector<256x3072xf32> to vector<256x3072xf8E4M3FN>
    %slice3A = vector.extract_strided_slice %convert_element_type3A_37 {offsets = [0, 0], sizes = [256, 2048], strides = [1, 1]} : vector<256x3072xf8E4M3FN> to vector<256x2048xf8E4M3FN>
    %reshape3A_38 = vector.shape_cast %slice3A : vector<256x2048xf8E4M3FN> to vector<16x16x2048xf8E4M3FN>
    %swap3A_39 = arith.constant 0 : index
    %swap3A_40 = arith.constant 0 : index
    %swap3A_41 = arith.constant 0 : index
    %swap3A_42 = vector.load %arg8[%swap3A_39, %swap3A_40, %swap3A_41] : memref<16x16x2048xf8E4M3FN, #tpu.memory_space<vmem>>, vector<16x16x2048xf8E4M3FN>
    tpu.vector_store %arg8[%swap3A_39, %swap3A_40, %swap3A_41], %reshape3A_38 {strides = array<i32>} : memref<16x16x2048xf8E4M3FN, #tpu.memory_space<vmem>>, vector<16x16x2048xf8E4M3FN>,
    %slice3A_43 = vector.extract_strided_slice %convert_element_type3A_37 {offsets = [0, 2048], sizes = [256, 1024], strides = [1, 1]} : vector<256x3072xf8E4M3FN> to vector<256x1024xf8E4M3FN>
    %reshape3A_44 = vector.shape_cast %slice3A_43 : vector<256x1024xf8E4M3FN> to vector<16x16x1024xf8E4M3FN>
    %swap3A_45 = arith.constant 0 : index
    %swap3A_46 = arith.constant 0 : index
    %swap3A_47 = arith.constant 0 : index
    %swap3A_48 = vector.load %arg9[%swap3A_45, %swap3A_46, %swap3A_47] : memref<16x16x1024xf8E4M3FN, #tpu.memory_space<vmem>>, vector<16x16x1024xf8E4M3FN>
    tpu.vector_store %arg9[%swap3A_45, %swap3A_46, %swap3A_47], %reshape3A_44 {strides = array<i32>} : memref<16x16x1024xf8E4M3FN, #tpu.memory_space<vmem>>, vector<16x16x1024xf8E4M3FN>,
    return
  }
  func.func @transform_0(%arg0: i32, %arg1: i32) -> (i32, i32, i32) {
    %c0_i32 = arith.constant 0 : i32
    %c0_i32_0 = arith.constant 0 : i32
    return %arg0, %arg1, %c0_i32 : i32, i32, i32
  }
  func.func @transform_1(%arg0: i32, %arg1: i32) -> (i32, i32) {
    %c0_i32 = arith.constant 0 : i32
    %c0_i32_0 = arith.constant 0 : i32
    %c0_i32_1 = arith.constant 0 : i32
    return %c0_i32, %c0_i32_0 : i32, i32
  }
  func.func @transform_2(%arg0: i32, %arg1: i32) -> (i32, i32) {
    %c0_i32 = arith.constant 0 : i32
    %c0_i32_0 = arith.constant 0 : i32
    %c0_i32_1 = arith.constant 0 : i32
    return %c0_i32, %c0_i32_0 : i32, i32
  }
  func.func @transform_3(%arg0: i32, %arg1: i32) -> (i32, i32) {
    %c0_i32 = arith.constant 0 : i32
    %c0_i32_0 = arith.constant 0 : i32
    %c0_i32_1 = arith.constant 0 : i32
    return %c0_i32, %c0_i32_0 : i32, i32
  }
  func.func @transform_4(%arg0: i32, %arg1: i32) -> (i32, i32) {
    %c0_i32 = arith.constant 0 : i32
    %c0_i32_0 = arith.constant 0 : i32
    %c0_i32_1 = arith.constant 0 : i32
    return %c0_i32, %c0_i32_0 : i32, i32
  }
  func.func @transform_5(%arg0: i32, %arg1: i32) -> (i32, i32) {
    %c0_i32 = arith.constant 0 : i32
    %c0_i32_0 = arith.constant 0 : i32
    %c0_i32_1 = arith.constant 0 : i32
    return %c0_i32, %c0_i32_0 : i32, i32
  }
  func.func @transform_6(%arg0: i32, %arg1: i32) -> (i32, i32, i32) {
    %c0_i32 = arith.constant 0 : i32
    %c0_i32_0 = arith.constant 0 : i32
    return %arg0, %arg1, %c0_i32 : i32, i32, i32
  }
  func.func @transform_7(%arg0: i32, %arg1: i32) -> (i32, i32, i32) {
    %c0_i32 = arith.constant 0 : i32
    %c0_i32_0 = arith.constant 0 : i32
    return %arg0, %arg1, %c0_i32 : i32, i32, i32
  }
  func.func @transform_8(%arg0: i32, %arg1: i32) -> (i32, i32, i32) {
    %mul3A = arith.constant 7 : i32
    %mul3A_0 = arith.muli %arg0, %mul3A : i32
    %add3A = arith.addi %mul3A_0, %arg1 : i32
    %c0_i32 = arith.constant 0 : i32
    %c0_i32_1 = arith.constant 0 : i32
    %c0_i32_2 = arith.constant 0 : i32
    return %add3A, %c0_i32, %c0_i32_1 : i32, i32, i32
  }
}

module attributes {stable_mosaic.version = 14 : i64} {
  func.func @_k2_body(%arg0: memref<64x1x384xf32, #tpu.memory_space<vmem>>, %arg1: memref<384x768xf32, #tpu.memory_space<vmem>>, %arg2: memref<1x768xf32, #tpu.memory_space<vmem>>, %arg3: memref<768x768xf32, #tpu.memory_space<vmem>>, %arg4: memref<1x768xf32, #tpu.memory_space<vmem>>, %arg5: memref<768x768xf32, #tpu.memory_space<vmem>>, %arg6: memref<1x768xf32, #tpu.memory_space<vmem>>, %arg7: memref<64x64xf32, #tpu.memory_space<vmem>>) attributes {dimension_semantics = [], scalar_prefetch = 0 : i64, scratch_operands = 0 : i64, tpu.core_type = #tpu.core_type<tc>} {
    %get3A = arith.constant 0 : index
    %get3A_0 = arith.constant 0 : index
    %get3A_1 = arith.constant 0 : index
    %get3A_2 = vector.load %arg0[%get3A, %get3A_0, %get3A_1] : memref<64x1x384xf32, #tpu.memory_space<vmem>>, vector<64x1x384xf32>
    %reshape3A = vector.shape_cast %get3A_2 : vector<64x1x384xf32> to vector<64x384xf32>
    %get3A_3 = arith.constant 0 : index
    %get3A_4 = arith.constant 0 : index
    %get3A_5 = vector.load %arg1[%get3A_3, %get3A_4] : memref<384x768xf32, #tpu.memory_space<vmem>>, vector<384x768xf32>
    %dot_general3A = arith.constant dense<0.000000e+00> : vector<64x768xf32>
    %dot_general3A_6 = tpu.matmul %reshape3A, %get3A_5, %dot_general3A {dimension_numbers = #tpu.dot_dimension_numbers<[1], [0], [0], [1], [0, 0, 1, 1], [], []>, precision = #tpu.contract_precision<fp32>, transpose_lhs_hint = false} : vector<64x384xf32>, vector<384x768xf32>, vector<64x768xf32> -> vector<64x768xf32>
    %get3A_7 = arith.constant 0 : index
    %get3A_8 = arith.constant 0 : index
    %get3A_9 = vector.load %arg2[%get3A_7, %get3A_8] : memref<1x768xf32, #tpu.memory_space<vmem>>, vector<1x768xf32>
    %add3A = vector.broadcast %get3A_9 : vector<1x768xf32> to vector<64x768xf32>
    %add3A_10 = arith.addf %dot_general3A_6, %add3A : vector<64x768xf32>
    %get3A_11 = arith.constant 0 : index
    %get3A_12 = arith.constant 0 : index
    %get3A_13 = vector.load %arg3[%get3A_11, %get3A_12] : memref<768x768xf32, #tpu.memory_space<vmem>>, vector<768x768xf32>
    %dot_general3A_14 = arith.constant dense<0.000000e+00> : vector<64x768xf32>
    %dot_general3A_15 = tpu.matmul %add3A_10, %get3A_13, %dot_general3A_14 {dimension_numbers = #tpu.dot_dimension_numbers<[1], [0], [0], [1], [0, 0, 1, 1], [], []>, precision = #tpu.contract_precision<fp32>, transpose_lhs_hint = false} : vector<64x768xf32>, vector<768x768xf32>, vector<64x768xf32> -> vector<64x768xf32>
    %get3A_16 = arith.constant 0 : index
    %get3A_17 = arith.constant 0 : index
    %get3A_18 = vector.load %arg4[%get3A_16, %get3A_17] : memref<1x768xf32, #tpu.memory_space<vmem>>, vector<1x768xf32>
    %add3A_19 = vector.broadcast %get3A_18 : vector<1x768xf32> to vector<64x768xf32>
    %add3A_20 = arith.addf %dot_general3A_15, %add3A_19 : vector<64x768xf32>
    %get3A_21 = arith.constant 0 : index
    %get3A_22 = arith.constant 0 : index
    %get3A_23 = vector.load %arg5[%get3A_21, %get3A_22] : memref<768x768xf32, #tpu.memory_space<vmem>>, vector<768x768xf32>
    %dot_general3A_24 = arith.constant dense<0.000000e+00> : vector<64x768xf32>
    %dot_general3A_25 = tpu.matmul %add3A_10, %get3A_23, %dot_general3A_24 {dimension_numbers = #tpu.dot_dimension_numbers<[1], [0], [0], [1], [0, 0, 1, 1], [], []>, precision = #tpu.contract_precision<fp32>, transpose_lhs_hint = false} : vector<64x768xf32>, vector<768x768xf32>, vector<64x768xf32> -> vector<64x768xf32>
    %get3A_26 = arith.constant 0 : index
    %get3A_27 = arith.constant 0 : index
    %get3A_28 = vector.load %arg6[%get3A_26, %get3A_27] : memref<1x768xf32, #tpu.memory_space<vmem>>, vector<1x768xf32>
    %add3A_29 = vector.broadcast %get3A_28 : vector<1x768xf32> to vector<64x768xf32>
    %add3A_30 = arith.addf %dot_general3A_25, %add3A_29 : vector<64x768xf32>
    %dot_general3A_31 = arith.constant dense<0.000000e+00> : vector<64x64xf32>
    %dot_general3A_32 = tpu.matmul %add3A_20, %add3A_30, %dot_general3A_31 {dimension_numbers = #tpu.dot_dimension_numbers<[1], [1], [0], [0], [0, 0, 1, 0], [], []>, precision = #tpu.contract_precision<fp32>, transpose_lhs_hint = false} : vector<64x768xf32>, vector<64x768xf32>, vector<64x64xf32> -> vector<64x64xf32>
    %iota3A = tpu.iota {dimensions = array<i32: 1>} : vector<64x64xi32>
    %lt3A = arith.constant 49 : i32
    %lt3A_33 = vector.broadcast %lt3A : i32 to vector<64x64xi32>
    %lt3A_34 = arith.cmpi slt, %iota3A, %lt3A_33 : vector<64x64xi32>
    %jit3A = arith.constant -1.000000e+30 : f32
    %broadcast_in_dim3A = vector.broadcast %jit3A : f32 to vector<64x64xf32>
    %select_n3A = arith.select %lt3A_34, %dot_general3A_32, %broadcast_in_dim3A : vector<64x64xi1>, vector<64x64xf32>
    %swap3A = arith.constant 0 : index
    %swap3A_35 = arith.constant 0 : index
    %swap3A_36 = vector.load %arg7[%swap3A, %swap3A_35] : memref<64x64xf32, #tpu.memory_space<vmem>>, vector<64x64xf32>
    tpu.vector_store %arg7[%swap3A, %swap3A_35], %select_n3A {strides = array<i32>} : memref<64x64xf32, #tpu.memory_space<vmem>>, vector<64x64xf32>,
    return
  }
}

module attributes {stable_mosaic.version = 14 : i64} {
  func.func @_k4_body(%arg0: i32, %arg1: memref<116x116x128xf8E4M3FN, #tpu.memory_space<vmem>>, %arg2: memref<32x128xf32, #tpu.memory_space<vmem>>, %arg3: memref<1x128xf32, #tpu.memory_space<vmem>>, %arg4: memref<112x112x128xf8E4M3FN, #tpu.memory_space<vmem>>) attributes {dimension_semantics = [#tpu.dimension_semantics<parallel>], iteration_bounds = array<i64: 8>, scalar_prefetch = 0 : i64, scratch_operands = 0 : i64, tpu.core_type = #tpu.core_type<tc>, window_params = [{transform_indices = @transform_0, window_bounds = array<i64: 116, 116, 128>}, {transform_indices = @transform_1, window_bounds = array<i64: 32, 128>}, {transform_indices = @transform_2, window_bounds = array<i64: 1, 128>}, {transform_indices = @transform_3, window_bounds = array<i64: 112, 112, 128>}]} {
    %get3A = arith.constant 0 : index
    %get3A_0 = arith.constant 0 : index
    %get3A_1 = vector.load %arg3[%get3A, %get3A_0] : memref<1x128xf32, #tpu.memory_space<vmem>>, vector<1x128xf32>
    %reshape3A = vector.shape_cast %get3A_1 : vector<1x128xf32> to vector<1x1x128xf32>
    %broadcast_in_dim3A = vector.shape_cast %reshape3A : vector<1x1x128xf32> to vector<1x1x128xf32>
    %broadcast_in_dim3A_2 = vector.broadcast %broadcast_in_dim3A : vector<1x1x128xf32> to vector<112x112x128xf32>
    %get3A_3 = arith.constant 0 : index
    %get3A_4 = arith.constant 0 : index
    %get3A_5 = vector.load %arg2[%get3A_3, %get3A_4] : memref<32x128xf32, #tpu.memory_space<vmem>>, vector<1x128xf32>
    %reshape3A_6 = vector.shape_cast %get3A_5 : vector<1x128xf32> to vector<1x1x128xf32>
    %get3A_7 = arith.constant 0 : index
    %get3A_8 = arith.constant 0 : index
    %get3A_9 = arith.constant 0 : index
    %get3A_10 = vector.load %arg1[%get3A_7, %get3A_8, %get3A_9] : memref<116x116x128xf8E4M3FN, #tpu.memory_space<vmem>>, vector<112x112x128xf8E4M3FN>
    %convert_element_type3A = arith.extf %get3A_10 : vector<112x112x128xf8E4M3FN> to vector<112x112x128xf32>
    %mul3A = vector.broadcast %reshape3A_6 : vector<1x1x128xf32> to vector<112x112x128xf32>
    %mul3A_11 = arith.mulf %convert_element_type3A, %mul3A : vector<112x112x128xf32>
    %add3A = arith.addf %broadcast_in_dim3A_2, %mul3A_11 : vector<112x112x128xf32>
    %get3A_12 = arith.constant 1 : index
    %get3A_13 = arith.constant 0 : index
    %get3A_14 = vector.load %arg2[%get3A_12, %get3A_13] : memref<32x128xf32, #tpu.memory_space<vmem>>, vector<1x128xf32>
    %reshape3A_15 = vector.shape_cast %get3A_14 : vector<1x128xf32> to vector<1x1x128xf32>
    %get3A_16 = arith.constant 0 : index
    %get3A_17 = arith.constant 1 : index
    %get3A_18 = arith.constant 0 : index
    %get3A_19 = vector.load %arg1[%get3A_16, %get3A_17, %get3A_18] : memref<116x116x128xf8E4M3FN, #tpu.memory_space<vmem>>, vector<112x112x128xf8E4M3FN>
    %convert_element_type3A_20 = arith.extf %get3A_19 : vector<112x112x128xf8E4M3FN> to vector<112x112x128xf32>
    %mul3A_21 = vector.broadcast %reshape3A_15 : vector<1x1x128xf32> to vector<112x112x128xf32>
    %mul3A_22 = arith.mulf %convert_element_type3A_20, %mul3A_21 : vector<112x112x128xf32>
    %add3A_23 = arith.addf %add3A, %mul3A_22 : vector<112x112x128xf32>
    %get3A_24 = arith.constant 2 : index
    %get3A_25 = arith.constant 0 : index
    %get3A_26 = vector.load %arg2[%get3A_24, %get3A_25] : memref<32x128xf32, #tpu.memory_space<vmem>>, vector<1x128xf32>
    %reshape3A_27 = vector.shape_cast %get3A_26 : vector<1x128xf32> to vector<1x1x128xf32>
    %get3A_28 = arith.constant 0 : index
    %get3A_29 = arith.constant 2 : index
    %get3A_30 = arith.constant 0 : index
    %get3A_31 = vector.load %arg1[%get3A_28, %get3A_29, %get3A_30] : memref<116x116x128xf8E4M3FN, #tpu.memory_space<vmem>>, vector<112x112x128xf8E4M3FN>
    %convert_element_type3A_32 = arith.extf %get3A_31 : vector<112x112x128xf8E4M3FN> to vector<112x112x128xf32>
    %mul3A_33 = vector.broadcast %reshape3A_27 : vector<1x1x128xf32> to vector<112x112x128xf32>
    %mul3A_34 = arith.mulf %convert_element_type3A_32, %mul3A_33 : vector<112x112x128xf32>
    %add3A_35 = arith.addf %add3A_23, %mul3A_34 : vector<112x112x128xf32>
    %get3A_36 = arith.constant 3 : index
    %get3A_37 = arith.constant 0 : index
    %get3A_38 = vector.load %arg2[%get3A_36, %get3A_37] : memref<32x128xf32, #tpu.memory_space<vmem>>, vector<1x128xf32>
    %reshape3A_39 = vector.shape_cast %get3A_38 : vector<1x128xf32> to vector<1x1x128xf32>
    %get3A_40 = arith.constant 0 : index
    %get3A_41 = arith.constant 3 : index
    %get3A_42 = arith.constant 0 : index
    %get3A_43 = vector.load %arg1[%get3A_40, %get3A_41, %get3A_42] : memref<116x116x128xf8E4M3FN, #tpu.memory_space<vmem>>, vector<112x112x128xf8E4M3FN>
    %convert_element_type3A_44 = arith.extf %get3A_43 : vector<112x112x128xf8E4M3FN> to vector<112x112x128xf32>
    %mul3A_45 = vector.broadcast %reshape3A_39 : vector<1x1x128xf32> to vector<112x112x128xf32>
    %mul3A_46 = arith.mulf %convert_element_type3A_44, %mul3A_45 : vector<112x112x128xf32>
    %add3A_47 = arith.addf %add3A_35, %mul3A_46 : vector<112x112x128xf32>
    %get3A_48 = arith.constant 4 : index
    %get3A_49 = arith.constant 0 : index
    %get3A_50 = vector.load %arg2[%get3A_48, %get3A_49] : memref<32x128xf32, #tpu.memory_space<vmem>>, vector<1x128xf32>
    %reshape3A_51 = vector.shape_cast %get3A_50 : vector<1x128xf32> to vector<1x1x128xf32>
    %get3A_52 = arith.constant 0 : index
    %get3A_53 = arith.constant 4 : index
    %get3A_54 = arith.constant 0 : index
    %get3A_55 = vector.load %arg1[%get3A_52, %get3A_53, %get3A_54] : memref<116x116x128xf8E4M3FN, #tpu.memory_space<vmem>>, vector<112x112x128xf8E4M3FN>
    %convert_element_type3A_56 = arith.extf %get3A_55 : vector<112x112x128xf8E4M3FN> to vector<112x112x128xf32>
    %mul3A_57 = vector.broadcast %reshape3A_51 : vector<1x1x128xf32> to vector<112x112x128xf32>
    %mul3A_58 = arith.mulf %convert_element_type3A_56, %mul3A_57 : vector<112x112x128xf32>
    %add3A_59 = arith.addf %add3A_47, %mul3A_58 : vector<112x112x128xf32>
    %get3A_60 = arith.constant 5 : index
    %get3A_61 = arith.constant 0 : index
    %get3A_62 = vector.load %arg2[%get3A_60, %get3A_61] : memref<32x128xf32, #tpu.memory_space<vmem>>, vector<1x128xf32>
    %reshape3A_63 = vector.shape_cast %get3A_62 : vector<1x128xf32> to vector<1x1x128xf32>
    %get3A_64 = arith.constant 1 : index
    %get3A_65 = arith.constant 0 : index
    %get3A_66 = arith.constant 0 : index
    %get3A_67 = vector.load %arg1[%get3A_64, %get3A_65, %get3A_66] : memref<116x116x128xf8E4M3FN, #tpu.memory_space<vmem>>, vector<112x112x128xf8E4M3FN>
    %convert_element_type3A_68 = arith.extf %get3A_67 : vector<112x112x128xf8E4M3FN> to vector<112x112x128xf32>
    %mul3A_69 = vector.broadcast %reshape3A_63 : vector<1x1x128xf32> to vector<112x112x128xf32>
    %mul3A_70 = arith.mulf %convert_element_type3A_68, %mul3A_69 : vector<112x112x128xf32>
    %add3A_71 = arith.addf %add3A_59, %mul3A_70 : vector<112x112x128xf32>
    %get3A_72 = arith.constant 6 : index
    %get3A_73 = arith.constant 0 : index
    %get3A_74 = vector.load %arg2[%get3A_72, %get3A_73] : memref<32x128xf32, #tpu.memory_space<vmem>>, vector<1x128xf32>
    %reshape3A_75 = vector.shape_cast %get3A_74 : vector<1x128xf32> to vector<1x1x128xf32>
    %get3A_76 = arith.constant 1 : index
    %get3A_77 = arith.constant 1 : index
    %get3A_78 = arith.constant 0 : index
    %get3A_79 = vector.load %arg1[%get3A_76, %get3A_77, %get3A_78] : memref<116x116x128xf8E4M3FN, #tpu.memory_space<vmem>>, vector<112x112x128xf8E4M3FN>
    %convert_element_type3A_80 = arith.extf %get3A_79 : vector<112x112x128xf8E4M3FN> to vector<112x112x128xf32>
    %mul3A_81 = vector.broadcast %reshape3A_75 : vector<1x1x128xf32> to vector<112x112x128xf32>
    %mul3A_82 = arith.mulf %convert_element_type3A_80, %mul3A_81 : vector<112x112x128xf32>
    %add3A_83 = arith.addf %add3A_71, %mul3A_82 : vector<112x112x128xf32>
    %get3A_84 = arith.constant 7 : index
    %get3A_85 = arith.constant 0 : index
    %get3A_86 = vector.load %arg2[%get3A_84, %get3A_85] : memref<32x128xf32, #tpu.memory_space<vmem>>, vector<1x128xf32>
    %reshape3A_87 = vector.shape_cast %get3A_86 : vector<1x128xf32> to vector<1x1x128xf32>
    %get3A_88 = arith.constant 1 : index
    %get3A_89 = arith.constant 2 : index
    %get3A_90 = arith.constant 0 : index
    %get3A_91 = vector.load %arg1[%get3A_88, %get3A_89, %get3A_90] : memref<116x116x128xf8E4M3FN, #tpu.memory_space<vmem>>, vector<112x112x128xf8E4M3FN>
    %convert_element_type3A_92 = arith.extf %get3A_91 : vector<112x112x128xf8E4M3FN> to vector<112x112x128xf32>
    %mul3A_93 = vector.broadcast %reshape3A_87 : vector<1x1x128xf32> to vector<112x112x128xf32>
    %mul3A_94 = arith.mulf %convert_element_type3A_92, %mul3A_93 : vector<112x112x128xf32>
    %add3A_95 = arith.addf %add3A_83, %mul3A_94 : vector<112x112x128xf32>
    %get3A_96 = arith.constant 8 : index
    %get3A_97 = arith.constant 0 : index
    %get3A_98 = vector.load %arg2[%get3A_96, %get3A_97] : memref<32x128xf32, #tpu.memory_space<vmem>>, vector<1x128xf32>
    %reshape3A_99 = vector.shape_cast %get3A_98 : vector<1x128xf32> to vector<1x1x128xf32>
    %get3A_100 = arith.constant 1 : index
    %get3A_101 = arith.constant 3 : index
    %get3A_102 = arith.constant 0 : index
    %get3A_103 = vector.load %arg1[%get3A_100, %get3A_101, %get3A_102] : memref<116x116x128xf8E4M3FN, #tpu.memory_space<vmem>>, vector<112x112x128xf8E4M3FN>
    %convert_element_type3A_104 = arith.extf %get3A_103 : vector<112x112x128xf8E4M3FN> to vector<112x112x128xf32>
    %mul3A_105 = vector.broadcast %reshape3A_99 : vector<1x1x128xf32> to vector<112x112x128xf32>
    %mul3A_106 = arith.mulf %convert_element_type3A_104, %mul3A_105 : vector<112x112x128xf32>
    %add3A_107 = arith.addf %add3A_95, %mul3A_106 : vector<112x112x128xf32>
    %get3A_108 = arith.constant 9 : index
    %get3A_109 = arith.constant 0 : index
    %get3A_110 = vector.load %arg2[%get3A_108, %get3A_109] : memref<32x128xf32, #tpu.memory_space<vmem>>, vector<1x128xf32>
    %reshape3A_111 = vector.shape_cast %get3A_110 : vector<1x128xf32> to vector<1x1x128xf32>
    %get3A_112 = arith.constant 1 : index
    %get3A_113 = arith.constant 4 : index
    %get3A_114 = arith.constant 0 : index
    %get3A_115 = vector.load %arg1[%get3A_112, %get3A_113, %get3A_114] : memref<116x116x128xf8E4M3FN, #tpu.memory_space<vmem>>, vector<112x112x128xf8E4M3FN>
    %convert_element_type3A_116 = arith.extf %get3A_115 : vector<112x112x128xf8E4M3FN> to vector<112x112x128xf32>
    %mul3A_117 = vector.broadcast %reshape3A_111 : vector<1x1x128xf32> to vector<112x112x128xf32>
    %mul3A_118 = arith.mulf %convert_element_type3A_116, %mul3A_117 : vector<112x112x128xf32>
    %add3A_119 = arith.addf %add3A_107, %mul3A_118 : vector<112x112x128xf32>
    %get3A_120 = arith.constant 10 : index
    %get3A_121 = arith.constant 0 : index
    %get3A_122 = vector.load %arg2[%get3A_120, %get3A_121] : memref<32x128xf32, #tpu.memory_space<vmem>>, vector<1x128xf32>
    %reshape3A_123 = vector.shape_cast %get3A_122 : vector<1x128xf32> to vector<1x1x128xf32>
    %get3A_124 = arith.constant 2 : index
    %get3A_125 = arith.constant 0 : index
    %get3A_126 = arith.constant 0 : index
    %get3A_127 = vector.load %arg1[%get3A_124, %get3A_125, %get3A_126] : memref<116x116x128xf8E4M3FN, #tpu.memory_space<vmem>>, vector<112x112x128xf8E4M3FN>
    %convert_element_type3A_128 = arith.extf %get3A_127 : vector<112x112x128xf8E4M3FN> to vector<112x112x128xf32>
    %mul3A_129 = vector.broadcast %reshape3A_123 : vector<1x1x128xf32> to vector<112x112x128xf32>
    %mul3A_130 = arith.mulf %convert_element_type3A_128, %mul3A_129 : vector<112x112x128xf32>
    %add3A_131 = arith.addf %add3A_119, %mul3A_130 : vector<112x112x128xf32>
    %get3A_132 = arith.constant 11 : index
    %get3A_133 = arith.constant 0 : index
    %get3A_134 = vector.load %arg2[%get3A_132, %get3A_133] : memref<32x128xf32, #tpu.memory_space<vmem>>, vector<1x128xf32>
    %reshape3A_135 = vector.shape_cast %get3A_134 : vector<1x128xf32> to vector<1x1x128xf32>
    %get3A_136 = arith.constant 2 : index
    %get3A_137 = arith.constant 1 : index
    %get3A_138 = arith.constant 0 : index
    %get3A_139 = vector.load %arg1[%get3A_136, %get3A_137, %get3A_138] : memref<116x116x128xf8E4M3FN, #tpu.memory_space<vmem>>, vector<112x112x128xf8E4M3FN>
    %convert_element_type3A_140 = arith.extf %get3A_139 : vector<112x112x128xf8E4M3FN> to vector<112x112x128xf32>
    %mul3A_141 = vector.broadcast %reshape3A_135 : vector<1x1x128xf32> to vector<112x112x128xf32>
    %mul3A_142 = arith.mulf %convert_element_type3A_140, %mul3A_141 : vector<112x112x128xf32>
    %add3A_143 = arith.addf %add3A_131, %mul3A_142 : vector<112x112x128xf32>
    %get3A_144 = arith.constant 12 : index
    %get3A_145 = arith.constant 0 : index
    %get3A_146 = vector.load %arg2[%get3A_144, %get3A_145] : memref<32x128xf32, #tpu.memory_space<vmem>>, vector<1x128xf32>
    %reshape3A_147 = vector.shape_cast %get3A_146 : vector<1x128xf32> to vector<1x1x128xf32>
    %get3A_148 = arith.constant 2 : index
    %get3A_149 = arith.constant 2 : index
    %get3A_150 = arith.constant 0 : index
    %get3A_151 = vector.load %arg1[%get3A_148, %get3A_149, %get3A_150] : memref<116x116x128xf8E4M3FN, #tpu.memory_space<vmem>>, vector<112x112x128xf8E4M3FN>
    %convert_element_type3A_152 = arith.extf %get3A_151 : vector<112x112x128xf8E4M3FN> to vector<112x112x128xf32>
    %mul3A_153 = vector.broadcast %reshape3A_147 : vector<1x1x128xf32> to vector<112x112x128xf32>
    %mul3A_154 = arith.mulf %convert_element_type3A_152, %mul3A_153 : vector<112x112x128xf32>
    %add3A_155 = arith.addf %add3A_143, %mul3A_154 : vector<112x112x128xf32>
    %get3A_156 = arith.constant 13 : index
    %get3A_157 = arith.constant 0 : index
    %get3A_158 = vector.load %arg2[%get3A_156, %get3A_157] : memref<32x128xf32, #tpu.memory_space<vmem>>, vector<1x128xf32>
    %reshape3A_159 = vector.shape_cast %get3A_158 : vector<1x128xf32> to vector<1x1x128xf32>
    %get3A_160 = arith.constant 2 : index
    %get3A_161 = arith.constant 3 : index
    %get3A_162 = arith.constant 0 : index
    %get3A_163 = vector.load %arg1[%get3A_160, %get3A_161, %get3A_162] : memref<116x116x128xf8E4M3FN, #tpu.memory_space<vmem>>, vector<112x112x128xf8E4M3FN>
    %convert_element_type3A_164 = arith.extf %get3A_163 : vector<112x112x128xf8E4M3FN> to vector<112x112x128xf32>
    %mul3A_165 = vector.broadcast %reshape3A_159 : vector<1x1x128xf32> to vector<112x112x128xf32>
    %mul3A_166 = arith.mulf %convert_element_type3A_164, %mul3A_165 : vector<112x112x128xf32>
    %add3A_167 = arith.addf %add3A_155, %mul3A_166 : vector<112x112x128xf32>
    %get3A_168 = arith.constant 14 : index
    %get3A_169 = arith.constant 0 : index
    %get3A_170 = vector.load %arg2[%get3A_168, %get3A_169] : memref<32x128xf32, #tpu.memory_space<vmem>>, vector<1x128xf32>
    %reshape3A_171 = vector.shape_cast %get3A_170 : vector<1x128xf32> to vector<1x1x128xf32>
    %get3A_172 = arith.constant 2 : index
    %get3A_173 = arith.constant 4 : index
    %get3A_174 = arith.constant 0 : index
    %get3A_175 = vector.load %arg1[%get3A_172, %get3A_173, %get3A_174] : memref<116x116x128xf8E4M3FN, #tpu.memory_space<vmem>>, vector<112x112x128xf8E4M3FN>
    %convert_element_type3A_176 = arith.extf %get3A_175 : vector<112x112x128xf8E4M3FN> to vector<112x112x128xf32>
    %mul3A_177 = vector.broadcast %reshape3A_171 : vector<1x1x128xf32> to vector<112x112x128xf32>
    %mul3A_178 = arith.mulf %convert_element_type3A_176, %mul3A_177 : vector<112x112x128xf32>
    %add3A_179 = arith.addf %add3A_167, %mul3A_178 : vector<112x112x128xf32>
    %get3A_180 = arith.constant 15 : index
    %get3A_181 = arith.constant 0 : index
    %get3A_182 = vector.load %arg2[%get3A_180, %get3A_181] : memref<32x128xf32, #tpu.memory_space<vmem>>, vector<1x128xf32>
    %reshape3A_183 = vector.shape_cast %get3A_182 : vector<1x128xf32> to vector<1x1x128xf32>
    %get3A_184 = arith.constant 3 : index
    %get3A_185 = arith.constant 0 : index
    %get3A_186 = arith.constant 0 : index
    %get3A_187 = vector.load %arg1[%get3A_184, %get3A_185, %get3A_186] : memref<116x116x128xf8E4M3FN, #tpu.memory_space<vmem>>, vector<112x112x128xf8E4M3FN>
    %convert_element_type3A_188 = arith.extf %get3A_187 : vector<112x112x128xf8E4M3FN> to vector<112x112x128xf32>
    %mul3A_189 = vector.broadcast %reshape3A_183 : vector<1x1x128xf32> to vector<112x112x128xf32>
    %mul3A_190 = arith.mulf %convert_element_type3A_188, %mul3A_189 : vector<112x112x128xf32>
    %add3A_191 = arith.addf %add3A_179, %mul3A_190 : vector<112x112x128xf32>
    %get3A_192 = arith.constant 16 : index
    %get3A_193 = arith.constant 0 : index
    %get3A_194 = vector.load %arg2[%get3A_192, %get3A_193] : memref<32x128xf32, #tpu.memory_space<vmem>>, vector<1x128xf32>
    %reshape3A_195 = vector.shape_cast %get3A_194 : vector<1x128xf32> to vector<1x1x128xf32>
    %get3A_196 = arith.constant 3 : index
    %get3A_197 = arith.constant 1 : index
    %get3A_198 = arith.constant 0 : index
    %get3A_199 = vector.load %arg1[%get3A_196, %get3A_197, %get3A_198] : memref<116x116x128xf8E4M3FN, #tpu.memory_space<vmem>>, vector<112x112x128xf8E4M3FN>
    %convert_element_type3A_200 = arith.extf %get3A_199 : vector<112x112x128xf8E4M3FN> to vector<112x112x128xf32>
    %mul3A_201 = vector.broadcast %reshape3A_195 : vector<1x1x128xf32> to vector<112x112x128xf32>
    %mul3A_202 = arith.mulf %convert_element_type3A_200, %mul3A_201 : vector<112x112x128xf32>
    %add3A_203 = arith.addf %add3A_191, %mul3A_202 : vector<112x112x128xf32>
    %get3A_204 = arith.constant 17 : index
    %get3A_205 = arith.constant 0 : index
    %get3A_206 = vector.load %arg2[%get3A_204, %get3A_205] : memref<32x128xf32, #tpu.memory_space<vmem>>, vector<1x128xf32>
    %reshape3A_207 = vector.shape_cast %get3A_206 : vector<1x128xf32> to vector<1x1x128xf32>
    %get3A_208 = arith.constant 3 : index
    %get3A_209 = arith.constant 2 : index
    %get3A_210 = arith.constant 0 : index
    %get3A_211 = vector.load %arg1[%get3A_208, %get3A_209, %get3A_210] : memref<116x116x128xf8E4M3FN, #tpu.memory_space<vmem>>, vector<112x112x128xf8E4M3FN>
    %convert_element_type3A_212 = arith.extf %get3A_211 : vector<112x112x128xf8E4M3FN> to vector<112x112x128xf32>
    %mul3A_213 = vector.broadcast %reshape3A_207 : vector<1x1x128xf32> to vector<112x112x128xf32>
    %mul3A_214 = arith.mulf %convert_element_type3A_212, %mul3A_213 : vector<112x112x128xf32>
    %add3A_215 = arith.addf %add3A_203, %mul3A_214 : vector<112x112x128xf32>
    %get3A_216 = arith.constant 18 : index
    %get3A_217 = arith.constant 0 : index
    %get3A_218 = vector.load %arg2[%get3A_216, %get3A_217] : memref<32x128xf32, #tpu.memory_space<vmem>>, vector<1x128xf32>
    %reshape3A_219 = vector.shape_cast %get3A_218 : vector<1x128xf32> to vector<1x1x128xf32>
    %get3A_220 = arith.constant 3 : index
    %get3A_221 = arith.constant 3 : index
    %get3A_222 = arith.constant 0 : index
    %get3A_223 = vector.load %arg1[%get3A_220, %get3A_221, %get3A_222] : memref<116x116x128xf8E4M3FN, #tpu.memory_space<vmem>>, vector<112x112x128xf8E4M3FN>
    %convert_element_type3A_224 = arith.extf %get3A_223 : vector<112x112x128xf8E4M3FN> to vector<112x112x128xf32>
    %mul3A_225 = vector.broadcast %reshape3A_219 : vector<1x1x128xf32> to vector<112x112x128xf32>
    %mul3A_226 = arith.mulf %convert_element_type3A_224, %mul3A_225 : vector<112x112x128xf32>
    %add3A_227 = arith.addf %add3A_215, %mul3A_226 : vector<112x112x128xf32>
    %get3A_228 = arith.constant 19 : index
    %get3A_229 = arith.constant 0 : index
    %get3A_230 = vector.load %arg2[%get3A_228, %get3A_229] : memref<32x128xf32, #tpu.memory_space<vmem>>, vector<1x128xf32>
    %reshape3A_231 = vector.shape_cast %get3A_230 : vector<1x128xf32> to vector<1x1x128xf32>
    %get3A_232 = arith.constant 3 : index
    %get3A_233 = arith.constant 4 : index
    %get3A_234 = arith.constant 0 : index
    %get3A_235 = vector.load %arg1[%get3A_232, %get3A_233, %get3A_234] : memref<116x116x128xf8E4M3FN, #tpu.memory_space<vmem>>, vector<112x112x128xf8E4M3FN>
    %convert_element_type3A_236 = arith.extf %get3A_235 : vector<112x112x128xf8E4M3FN> to vector<112x112x128xf32>
    %mul3A_237 = vector.broadcast %reshape3A_231 : vector<1x1x128xf32> to vector<112x112x128xf32>
    %mul3A_238 = arith.mulf %convert_element_type3A_236, %mul3A_237 : vector<112x112x128xf32>
    %add3A_239 = arith.addf %add3A_227, %mul3A_238 : vector<112x112x128xf32>
    %get3A_240 = arith.constant 20 : index
    %get3A_241 = arith.constant 0 : index
    %get3A_242 = vector.load %arg2[%get3A_240, %get3A_241] : memref<32x128xf32, #tpu.memory_space<vmem>>, vector<1x128xf32>
    %reshape3A_243 = vector.shape_cast %get3A_242 : vector<1x128xf32> to vector<1x1x128xf32>
    %get3A_244 = arith.constant 4 : index
    %get3A_245 = arith.constant 0 : index
    %get3A_246 = arith.constant 0 : index
    %get3A_247 = vector.load %arg1[%get3A_244, %get3A_245, %get3A_246] : memref<116x116x128xf8E4M3FN, #tpu.memory_space<vmem>>, vector<112x112x128xf8E4M3FN>
    %convert_element_type3A_248 = arith.extf %get3A_247 : vector<112x112x128xf8E4M3FN> to vector<112x112x128xf32>
    %mul3A_249 = vector.broadcast %reshape3A_243 : vector<1x1x128xf32> to vector<112x112x128xf32>
    %mul3A_250 = arith.mulf %convert_element_type3A_248, %mul3A_249 : vector<112x112x128xf32>
    %add3A_251 = arith.addf %add3A_239, %mul3A_250 : vector<112x112x128xf32>
    %get3A_252 = arith.constant 21 : index
    %get3A_253 = arith.constant 0 : index
    %get3A_254 = vector.load %arg2[%get3A_252, %get3A_253] : memref<32x128xf32, #tpu.memory_space<vmem>>, vector<1x128xf32>
    %reshape3A_255 = vector.shape_cast %get3A_254 : vector<1x128xf32> to vector<1x1x128xf32>
    %get3A_256 = arith.constant 4 : index
    %get3A_257 = arith.constant 1 : index
    %get3A_258 = arith.constant 0 : index
    %get3A_259 = vector.load %arg1[%get3A_256, %get3A_257, %get3A_258] : memref<116x116x128xf8E4M3FN, #tpu.memory_space<vmem>>, vector<112x112x128xf8E4M3FN>
    %convert_element_type3A_260 = arith.extf %get3A_259 : vector<112x112x128xf8E4M3FN> to vector<112x112x128xf32>
    %mul3A_261 = vector.broadcast %reshape3A_255 : vector<1x1x128xf32> to vector<112x112x128xf32>
    %mul3A_262 = arith.mulf %convert_element_type3A_260, %mul3A_261 : vector<112x112x128xf32>
    %add3A_263 = arith.addf %add3A_251, %mul3A_262 : vector<112x112x128xf32>
    %get3A_264 = arith.constant 22 : index
    %get3A_265 = arith.constant 0 : index
    %get3A_266 = vector.load %arg2[%get3A_264, %get3A_265] : memref<32x128xf32, #tpu.memory_space<vmem>>, vector<1x128xf32>
    %reshape3A_267 = vector.shape_cast %get3A_266 : vector<1x128xf32> to vector<1x1x128xf32>
    %get3A_268 = arith.constant 4 : index
    %get3A_269 = arith.constant 2 : index
    %get3A_270 = arith.constant 0 : index
    %get3A_271 = vector.load %arg1[%get3A_268, %get3A_269, %get3A_270] : memref<116x116x128xf8E4M3FN, #tpu.memory_space<vmem>>, vector<112x112x128xf8E4M3FN>
    %convert_element_type3A_272 = arith.extf %get3A_271 : vector<112x112x128xf8E4M3FN> to vector<112x112x128xf32>
    %mul3A_273 = vector.broadcast %reshape3A_267 : vector<1x1x128xf32> to vector<112x112x128xf32>
    %mul3A_274 = arith.mulf %convert_element_type3A_272, %mul3A_273 : vector<112x112x128xf32>
    %add3A_275 = arith.addf %add3A_263, %mul3A_274 : vector<112x112x128xf32>
    %get3A_276 = arith.constant 23 : index
    %get3A_277 = arith.constant 0 : index
    %get3A_278 = vector.load %arg2[%get3A_276, %get3A_277] : memref<32x128xf32, #tpu.memory_space<vmem>>, vector<1x128xf32>
    %reshape3A_279 = vector.shape_cast %get3A_278 : vector<1x128xf32> to vector<1x1x128xf32>
    %get3A_280 = arith.constant 4 : index
    %get3A_281 = arith.constant 3 : index
    %get3A_282 = arith.constant 0 : index
    %get3A_283 = vector.load %arg1[%get3A_280, %get3A_281, %get3A_282] : memref<116x116x128xf8E4M3FN, #tpu.memory_space<vmem>>, vector<112x112x128xf8E4M3FN>
    %convert_element_type3A_284 = arith.extf %get3A_283 : vector<112x112x128xf8E4M3FN> to vector<112x112x128xf32>
    %mul3A_285 = vector.broadcast %reshape3A_279 : vector<1x1x128xf32> to vector<112x112x128xf32>
    %mul3A_286 = arith.mulf %convert_element_type3A_284, %mul3A_285 : vector<112x112x128xf32>
    %add3A_287 = arith.addf %add3A_275, %mul3A_286 : vector<112x112x128xf32>
    %get3A_288 = arith.constant 24 : index
    %get3A_289 = arith.constant 0 : index
    %get3A_290 = vector.load %arg2[%get3A_288, %get3A_289] : memref<32x128xf32, #tpu.memory_space<vmem>>, vector<1x128xf32>
    %reshape3A_291 = vector.shape_cast %get3A_290 : vector<1x128xf32> to vector<1x1x128xf32>
    %get3A_292 = arith.constant 4 : index
    %get3A_293 = arith.constant 4 : index
    %get3A_294 = arith.constant 0 : index
    %get3A_295 = vector.load %arg1[%get3A_292, %get3A_293, %get3A_294] : memref<116x116x128xf8E4M3FN, #tpu.memory_space<vmem>>, vector<112x112x128xf8E4M3FN>
    %convert_element_type3A_296 = arith.extf %get3A_295 : vector<112x112x128xf8E4M3FN> to vector<112x112x128xf32>
    %mul3A_297 = vector.broadcast %reshape3A_291 : vector<1x1x128xf32> to vector<112x112x128xf32>
    %mul3A_298 = arith.mulf %convert_element_type3A_296, %mul3A_297 : vector<112x112x128xf32>
    %add3A_299 = arith.addf %add3A_287, %mul3A_298 : vector<112x112x128xf32>
    %convert_element_type3A_300 = arith.truncf %add3A_299 : vector<112x112x128xf32> to vector<112x112x128xf8E4M3FN>
    %swap3A = arith.constant 0 : index
    %swap3A_301 = arith.constant 0 : index
    %swap3A_302 = arith.constant 0 : index
    %swap3A_303 = vector.load %arg4[%swap3A, %swap3A_301, %swap3A_302] : memref<112x112x128xf8E4M3FN, #tpu.memory_space<vmem>>, vector<112x112x128xf8E4M3FN>
    tpu.vector_store %arg4[%swap3A, %swap3A_301, %swap3A_302], %convert_element_type3A_300 {strides = array<i32>} : memref<112x112x128xf8E4M3FN, #tpu.memory_space<vmem>>, vector<112x112x128xf8E4M3FN>,
    return
  }
  func.func @transform_0(%arg0: i32) -> (i32, i32, i32) {
    %c0_i32 = arith.constant 0 : i32
    %c0_i32_0 = arith.constant 0 : i32
    %c0_i32_1 = arith.constant 0 : i32
    return %c0_i32, %c0_i32_0, %arg0 : i32, i32, i32
  }
  func.func @transform_1(%arg0: i32) -> (i32, i32) {
    %c0_i32 = arith.constant 0 : i32
    %c0_i32_0 = arith.constant 0 : i32
    return %c0_i32, %arg0 : i32, i32
  }
  func.func @transform_2(%arg0: i32) -> (i32, i32) {
    %c0_i32 = arith.constant 0 : i32
    %c0_i32_0 = arith.constant 0 : i32
    return %c0_i32, %arg0 : i32, i32
  }
  func.func @transform_3(%arg0: i32) -> (i32, i32, i32) {
    %c0_i32 = arith.constant 0 : i32
    %c0_i32_0 = arith.constant 0 : i32
    %c0_i32_1 = arith.constant 0 : i32
    return %c0_i32, %c0_i32_0, %arg0 : i32, i32, i32
  }
}

module attributes {stable_mosaic.version = 14 : i64} {
  func.func @_k5_body(%arg0: i32, %arg1: memref<256x1024xf8E4M3FN, #tpu.memory_space<vmem>>, %arg2: memref<256x1024xf8E4M3FN, #tpu.memory_space<vmem>>, %arg3: memref<256x384xf32, #tpu.memory_space<vmem>>, %arg4: memref<1024x768xf8E4M3FN, #tpu.memory_space<vmem>>, %arg5: memref<1x768xf32, #tpu.memory_space<vmem>>, %arg6: memref<768x384xf8E4M3FN, #tpu.memory_space<vmem>>, %arg7: memref<1x384xf32, #tpu.memory_space<vmem>>, %arg8: memref<256x384xf32, #tpu.memory_space<vmem>>) attributes {dimension_semantics = [#tpu.dimension_semantics<parallel>], iteration_bounds = array<i64: 49>, scalar_prefetch = 0 : i64, scratch_operands = 0 : i64, tpu.core_type = #tpu.core_type<tc>, window_params = [{transform_indices = @transform_0, window_bounds = array<i64: 256, 1024>}, {transform_indices = @transform_1, window_bounds = array<i64: 256, 1024>}, {transform_indices = @transform_2, window_bounds = array<i64: 256, 384>}, {pipeline_mode = #tpu.pipeline_mode<synchronous>, transform_indices = @transform_3, window_bounds = array<i64: 1024, 768>}, {pipeline_mode = #tpu.pipeline_mode<synchronous>, transform_indices = @transform_4, window_bounds = array<i64: 1, 768>}, {pipeline_mode = #tpu.pipeline_mode<synchronous>, transform_indices = @transform_5, window_bounds = array<i64: 768, 384>}, {pipeline_mode = #tpu.pipeline_mode<synchronous>, transform_indices = @transform_6, window_bounds = array<i64: 1, 384>}, {transform_indices = @transform_7, window_bounds = array<i64: 256, 384>}]} {
    %get3A = arith.constant 0 : index
    %get3A_0 = arith.constant 0 : index
    %get3A_1 = vector.load %arg1[%get3A, %get3A_0] : memref<256x1024xf8E4M3FN, #tpu.memory_space<vmem>>, vector<256x1024xf8E4M3FN>
    %convert_element_type3A = arith.extf %get3A_1 : vector<256x1024xf8E4M3FN> to vector<256x1024xf32>
    %get3A_2 = arith.constant 0 : index
    %get3A_3 = arith.constant 0 : index
    %get3A_4 = vector.load %arg2[%get3A_2, %get3A_3] : memref<256x1024xf8E4M3FN, #tpu.memory_space<vmem>>, vector<256x1024xf8E4M3FN>
    %convert_element_type3A_5 = arith.extf %get3A_4 : vector<256x1024xf8E4M3FN> to vector<256x1024xf32>
    %add3A = arith.addf %convert_element_type3A, %convert_element_type3A_5 : vector<256x1024xf32>
    %convert_element_type3A_6 = arith.truncf %add3A : vector<256x1024xf32> to vector<256x1024xf8E4M3FN>
    %get3A_7 = arith.constant 0 : index
    %get3A_8 = arith.constant 0 : index
    %get3A_9 = vector.load %arg4[%get3A_7, %get3A_8] : memref<1024x768xf8E4M3FN, #tpu.memory_space<vmem>>, vector<1024x768xf8E4M3FN>
    %dot_general3A = arith.constant dense<0.000000e+00> : vector<256x768xf32>
    %dot_general3A_10 = tpu.matmul %convert_element_type3A_6, %get3A_9, %dot_general3A {dimension_numbers = #tpu.dot_dimension_numbers<[1], [0], [0], [1], [0, 0, 1, 1], [], []>, transpose_lhs_hint = false} : vector<256x1024xf8E4M3FN>, vector<1024x768xf8E4M3FN>, vector<256x768xf32> -> vector<256x768xf32>
    %mul3A = arith.constant 6.250000e-02 : f32
    %mul3A_11 = vector.broadcast %mul3A : f32 to vector<256x768xf32>
    %mul3A_12 = arith.mulf %dot_general3A_10, %mul3A_11 : vector<256x768xf32>
    %get3A_13 = arith.constant 0 : index
    %get3A_14 = arith.constant 0 : index
    %get3A_15 = vector.load %arg5[%get3A_13, %get3A_14] : memref<1x768xf32, #tpu.memory_space<vmem>>, vector<1x768xf32>
    %add3A_16 = vector.broadcast %get3A_15 : vector<1x768xf32> to vector<256x768xf32>
    %add3A_17 = arith.addf %mul3A_12, %add3A_16 : vector<256x768xf32>
    %convert_element_type3A_18 = arith.truncf %add3A_17 : vector<256x768xf32> to vector<256x768xf8E4M3FN>
    %get3A_19 = arith.constant 0 : index
    %get3A_20 = arith.constant 0 : index
    %get3A_21 = vector.load %arg6[%get3A_19, %get3A_20] : memref<768x384xf8E4M3FN, #tpu.memory_space<vmem>>, vector<768x384xf8E4M3FN>
    %dot_general3A_22 = arith.constant dense<0.000000e+00> : vector<256x384xf32>
    %dot_general3A_23 = tpu.matmul %convert_element_type3A_18, %get3A_21, %dot_general3A_22 {dimension_numbers = #tpu.dot_dimension_numbers<[1], [0], [0], [1], [0, 0, 1, 1], [], []>, transpose_lhs_hint = false} : vector<256x768xf8E4M3FN>, vector<768x384xf8E4M3FN>, vector<256x384xf32> -> vector<256x384xf32>
    %mul3A_24 = arith.constant 6.250000e-02 : f32
    %mul3A_25 = vector.broadcast %mul3A_24 : f32 to vector<256x384xf32>
    %mul3A_26 = arith.mulf %dot_general3A_23, %mul3A_25 : vector<256x384xf32>
    %get3A_27 = arith.constant 0 : index
    %get3A_28 = arith.constant 0 : index
    %get3A_29 = vector.load %arg7[%get3A_27, %get3A_28] : memref<1x384xf32, #tpu.memory_space<vmem>>, vector<1x384xf32>
    %add3A_30 = vector.broadcast %get3A_29 : vector<1x384xf32> to vector<256x384xf32>
    %add3A_31 = arith.addf %mul3A_26, %add3A_30 : vector<256x384xf32>
    %get3A_32 = arith.constant 0 : index
    %get3A_33 = arith.constant 0 : index
    %get3A_34 = vector.load %arg3[%get3A_32, %get3A_33] : memref<256x384xf32, #tpu.memory_space<vmem>>, vector<256x384xf32>
    %add3A_35 = arith.addf %add3A_31, %get3A_34 : vector<256x384xf32>
    %swap3A = arith.constant 0 : index
    %swap3A_36 = arith.constant 0 : index
    %swap3A_37 = vector.load %arg8[%swap3A, %swap3A_36] : memref<256x384xf32, #tpu.memory_space<vmem>>, vector<256x384xf32>
    tpu.vector_store %arg8[%swap3A, %swap3A_36], %add3A_35 {strides = array<i32>} : memref<256x384xf32, #tpu.memory_space<vmem>>, vector<256x384xf32>,
    return
  }
  func.func @transform_0(%arg0: i32) -> (i32, i32) {
    %c0_i32 = arith.constant 0 : i32
    %c0_i32_0 = arith.constant 0 : i32
    return %arg0, %c0_i32 : i32, i32
  }
  func.func @transform_1(%arg0: i32) -> (i32, i32) {
    %c0_i32 = arith.constant 0 : i32
    %c0_i32_0 = arith.constant 0 : i32
    return %arg0, %c0_i32 : i32, i32
  }
  func.func @transform_2(%arg0: i32) -> (i32, i32) {
    %c0_i32 = arith.constant 0 : i32
    %c0_i32_0 = arith.constant 0 : i32
    return %arg0, %c0_i32 : i32, i32
  }
  func.func @transform_3(%arg0: i32) -> (i32, i32) {
    %c0_i32 = arith.constant 0 : i32
    %c0_i32_0 = arith.constant 0 : i32
    %c0_i32_1 = arith.constant 0 : i32
    return %c0_i32, %c0_i32_0 : i32, i32
  }
  func.func @transform_4(%arg0: i32) -> (i32, i32) {
    %c0_i32 = arith.constant 0 : i32
    %c0_i32_0 = arith.constant 0 : i32
    %c0_i32_1 = arith.constant 0 : i32
    return %c0_i32, %c0_i32_0 : i32, i32
  }
  func.func @transform_5(%arg0: i32) -> (i32, i32) {
    %c0_i32 = arith.constant 0 : i32
    %c0_i32_0 = arith.constant 0 : i32
    %c0_i32_1 = arith.constant 0 : i32
    return %c0_i32, %c0_i32_0 : i32, i32
  }
  func.func @transform_6(%arg0: i32) -> (i32, i32) {
    %c0_i32 = arith.constant 0 : i32
    %c0_i32_0 = arith.constant 0 : i32
    %c0_i32_1 = arith.constant 0 : i32
    return %c0_i32, %c0_i32_0 : i32, i32
  }
  func.func @transform_7(%arg0: i32) -> (i32, i32) {
    %c0_i32 = arith.constant 0 : i32
    %c0_i32_0 = arith.constant 0 : i32
    return %arg0, %c0_i32 : i32, i32
  }
}

module attributes {stable_mosaic.version = 14 : i64} {
  func.func @_k3_body(%arg0: i32, %arg1: memref<49x4xi32, #tpu.memory_space<smem>>, %arg2: memref<16x16x1024xf8E4M3FN, #tpu.memory_space<vmem>>, %arg3: memref<16x16x1024xf8E4M3FN, #tpu.memory_space<vmem>>, %arg4: memref<16x16x1024xf8E4M3FN, #tpu.memory_space<vmem>>, %arg5: memref<16x16x1024xf8E4M3FN, #tpu.memory_space<vmem>>, %arg6: memref<16x16x1024xf8E4M3FN, #tpu.memory_space<vmem>>, %arg7: memref<16x16x1024xf8E4M3FN, #tpu.memory_space<vmem>>, %arg8: memref<16x16x1024xf8E4M3FN, #tpu.memory_space<vmem>>, %arg9: memref<16x16x1024xf8E4M3FN, #tpu.memory_space<vmem>>, %arg10: memref<16x16x1024xf8E4M3FN, #tpu.memory_space<vmem>>, %arg11: memref<16x16x1024xf8E4M3FN, #tpu.memory_space<vmem>>) attributes {dimension_semantics = [#tpu.dimension_semantics<parallel>], iteration_bounds = array<i64: 49>, scalar_prefetch = 1 : i64, scratch_operands = 0 : i64, tpu.core_type = #tpu.core_type<tc>, window_params = [{transform_indices = @transform_0, window_bounds = array<i64: 16, 16, 1024>}, {transform_indices = @transform_1, window_bounds = array<i64: 16, 16, 1024>}, {transform_indices = @transform_2, window_bounds = array<i64: 16, 16, 1024>}, {transform_indices = @transform_3, window_bounds = array<i64: 16, 16, 1024>}, {transform_indices = @transform_4, window_bounds = array<i64: 16, 16, 1024>}, {transform_indices = @transform_5, window_bounds = array<i64: 16, 16, 1024>}, {transform_indices = @transform_6, window_bounds = array<i64: 16, 16, 1024>}, {transform_indices = @transform_7, window_bounds = array<i64: 16, 16, 1024>}, {transform_indices = @transform_8, window_bounds = array<i64: 16, 16, 1024>}, {transform_indices = @transform_9, window_bounds = array<i64: 16, 16, 1024>}]} {
    %get3A = arith.constant 0 : index
    %get3A_0 = arith.constant 0 : index
    %get3A_1 = arith.constant 0 : index
    %get3A_2 = vector.load %arg2[%get3A, %get3A_0, %get3A_1] : memref<16x16x1024xf8E4M3FN, #tpu.memory_space<vmem>>, vector<16x16x1024xf8E4M3FN>
    %reshape3A = vector.shape_cast %get3A_2 : vector<16x16x1024xf8E4M3FN> to vector<256x1024xf8E4M3FN>
    %get3A_3 = arith.constant 0 : index
    %get3A_4 = arith.constant 0 : index
    %get3A_5 = arith.constant 0 : index
    %get3A_6 = vector.load %arg3[%get3A_3, %get3A_4, %get3A_5] : memref<16x16x1024xf8E4M3FN, #tpu.memory_space<vmem>>, vector<16x16x1024xf8E4M3FN>
    %reshape3A_7 = vector.shape_cast %get3A_6 : vector<16x16x1024xf8E4M3FN> to vector<256x1024xf8E4M3FN>
    %get3A_8 = arith.constant 0 : index
    %get3A_9 = arith.constant 0 : index
    %get3A_10 = arith.constant 0 : index
    %get3A_11 = vector.load %arg4[%get3A_8, %get3A_9, %get3A_10] : memref<16x16x1024xf8E4M3FN, #tpu.memory_space<vmem>>, vector<16x16x1024xf8E4M3FN>
    %reshape3A_12 = vector.shape_cast %get3A_11 : vector<16x16x1024xf8E4M3FN> to vector<256x1024xf8E4M3FN>
    %get3A_13 = arith.constant 0 : index
    %get3A_14 = arith.constant 0 : index
    %get3A_15 = arith.constant 0 : index
    %get3A_16 = vector.load %arg5[%get3A_13, %get3A_14, %get3A_15] : memref<16x16x1024xf8E4M3FN, #tpu.memory_space<vmem>>, vector<16x16x1024xf8E4M3FN>
    %reshape3A_17 = vector.shape_cast %get3A_16 : vector<16x16x1024xf8E4M3FN> to vector<256x1024xf8E4M3FN>
    %get3A_18 = arith.constant 0 : index
    %get3A_19 = arith.constant 0 : index
    %get3A_20 = arith.constant 0 : index
    %get3A_21 = vector.load %arg6[%get3A_18, %get3A_19, %get3A_20] : memref<16x16x1024xf8E4M3FN, #tpu.memory_space<vmem>>, vector<16x16x1024xf8E4M3FN>
    %reshape3A_22 = vector.shape_cast %get3A_21 : vector<16x16x1024xf8E4M3FN> to vector<256x1024xf8E4M3FN>
    %get3A_23 = arith.constant 0 : index
    %get3A_24 = arith.constant 0 : index
    %get3A_25 = arith.constant 0 : index
    %get3A_26 = vector.load %arg7[%get3A_23, %get3A_24, %get3A_25] : memref<16x16x1024xf8E4M3FN, #tpu.memory_space<vmem>>, vector<16x16x1024xf8E4M3FN>
    %reshape3A_27 = vector.shape_cast %get3A_26 : vector<16x16x1024xf8E4M3FN> to vector<256x1024xf8E4M3FN>
    %get3A_28 = arith.constant 0 : index
    %get3A_29 = arith.constant 0 : index
    %get3A_30 = arith.constant 0 : index
    %get3A_31 = vector.load %arg8[%get3A_28, %get3A_29, %get3A_30] : memref<16x16x1024xf8E4M3FN, #tpu.memory_space<vmem>>, vector<16x16x1024xf8E4M3FN>
    %reshape3A_32 = vector.shape_cast %get3A_31 : vector<16x16x1024xf8E4M3FN> to vector<256x1024xf8E4M3FN>
    %get3A_33 = arith.constant 0 : index
    %get3A_34 = arith.constant 0 : index
    %get3A_35 = arith.constant 0 : index
    %get3A_36 = vector.load %arg9[%get3A_33, %get3A_34, %get3A_35] : memref<16x16x1024xf8E4M3FN, #tpu.memory_space<vmem>>, vector<16x16x1024xf8E4M3FN>
    %reshape3A_37 = vector.shape_cast %get3A_36 : vector<16x16x1024xf8E4M3FN> to vector<256x1024xf8E4M3FN>
    %get3A_38 = arith.constant 0 : index
    %get3A_39 = arith.constant 0 : index
    %get3A_40 = arith.constant 0 : index
    %get3A_41 = vector.load %arg10[%get3A_38, %get3A_39, %get3A_40] : memref<16x16x1024xf8E4M3FN, #tpu.memory_space<vmem>>, vector<16x16x1024xf8E4M3FN>
    %reshape3A_42 = vector.shape_cast %get3A_41 : vector<16x16x1024xf8E4M3FN> to vector<256x1024xf8E4M3FN>
    %slice3A = vector.extract_strided_slice %reshape3A {offsets = [0, 0], sizes = [256, 128], strides = [1, 1]} : vector<256x1024xf8E4M3FN> to vector<256x128xf8E4M3FN>
    %broadcast_in_dim3A = arith.constant 0.000000e+00 : f32
    %broadcast_in_dim3A_43 = vector.broadcast %broadcast_in_dim3A : f32 to vector<256x128xf32>
    %slice3A_44 = vector.extract_strided_slice %reshape3A_7 {offsets = [0, 0], sizes = [256, 128], strides = [1, 1]} : vector<256x1024xf8E4M3FN> to vector<256x128xf8E4M3FN>
    %dot_general3A = arith.constant dense<0.000000e+00> : vector<256x256xf32>
    %dot_general3A_45 = tpu.matmul %slice3A, %slice3A_44, %dot_general3A {dimension_numbers = #tpu.dot_dimension_numbers<[1], [1], [0], [0], [0, 0, 1, 0], [], []>, transpose_lhs_hint = false} : vector<256x128xf8E4M3FN>, vector<256x128xf8E4M3FN>, vector<256x256xf32> -> vector<256x256xf32>
    %exp3A = math.exp %dot_general3A_45 : vector<256x256xf32>
    %convert_element_type3A = arith.truncf %exp3A : vector<256x256xf32> to vector<256x256xf8E4M3FN>
    %slice3A_46 = vector.extract_strided_slice %reshape3A_27 {offsets = [0, 0], sizes = [256, 128], strides = [1, 1]} : vector<256x1024xf8E4M3FN> to vector<256x128xf8E4M3FN>
    %dot_general3A_47 = arith.constant dense<0.000000e+00> : vector<256x128xf32>
    %dot_general3A_48 = tpu.matmul %convert_element_type3A, %slice3A_46, %dot_general3A_47 {dimension_numbers = #tpu.dot_dimension_numbers<[1], [0], [0], [1], [0, 0, 1, 1], [], []>, transpose_lhs_hint = false} : vector<256x256xf8E4M3FN>, vector<256x128xf8E4M3FN>, vector<256x128xf32> -> vector<256x128xf32>
    %add3A = arith.addf %broadcast_in_dim3A_43, %dot_general3A_48 : vector<256x128xf32>
    %slice3A_49 = vector.extract_strided_slice %reshape3A_12 {offsets = [0, 0], sizes = [256, 128], strides = [1, 1]} : vector<256x1024xf8E4M3FN> to vector<256x128xf8E4M3FN>
    %dot_general3A_50 = arith.constant dense<0.000000e+00> : vector<256x256xf32>
    %dot_general3A_51 = tpu.matmul %slice3A, %slice3A_49, %dot_general3A_50 {dimension_numbers = #tpu.dot_dimension_numbers<[1], [1], [0], [0], [0, 0, 1, 0], [], []>, transpose_lhs_hint = false} : vector<256x128xf8E4M3FN>, vector<256x128xf8E4M3FN>, vector<256x256xf32> -> vector<256x256xf32>
    %exp3A_52 = math.exp %dot_general3A_51 : vector<256x256xf32>
    %convert_element_type3A_53 = arith.truncf %exp3A_52 : vector<256x256xf32> to vector<256x256xf8E4M3FN>
    %slice3A_54 = vector.extract_strided_slice %reshape3A_32 {offsets = [0, 0], sizes = [256, 128], strides = [1, 1]} : vector<256x1024xf8E4M3FN> to vector<256x128xf8E4M3FN>
    %dot_general3A_55 = arith.constant dense<0.000000e+00> : vector<256x128xf32>
    %dot_general3A_56 = tpu.matmul %convert_element_type3A_53, %slice3A_54, %dot_general3A_55 {dimension_numbers = #tpu.dot_dimension_numbers<[1], [0], [0], [1], [0, 0, 1, 1], [], []>, transpose_lhs_hint = false} : vector<256x256xf8E4M3FN>, vector<256x128xf8E4M3FN>, vector<256x128xf32> -> vector<256x128xf32>
    %add3A_57 = arith.addf %add3A, %dot_general3A_56 : vector<256x128xf32>
    %slice3A_58 = vector.extract_strided_slice %reshape3A_17 {offsets = [0, 0], sizes = [256, 128], strides = [1, 1]} : vector<256x1024xf8E4M3FN> to vector<256x128xf8E4M3FN>
    %dot_general3A_59 = arith.constant dense<0.000000e+00> : vector<256x256xf32>
    %dot_general3A_60 = tpu.matmul %slice3A, %slice3A_58, %dot_general3A_59 {dimension_numbers = #tpu.dot_dimension_numbers<[1], [1], [0], [0], [0, 0, 1, 0], [], []>, transpose_lhs_hint = false} : vector<256x128xf8E4M3FN>, vector<256x128xf8E4M3FN>, vector<256x256xf32> -> vector<256x256xf32>
    %exp3A_61 = math.exp %dot_general3A_60 : vector<256x256xf32>
    %convert_element_type3A_62 = arith.truncf %exp3A_61 : vector<256x256xf32> to vector<256x256xf8E4M3FN>
    %slice3A_63 = vector.extract_strided_slice %reshape3A_37 {offsets = [0, 0], sizes = [256, 128], strides = [1, 1]} : vector<256x1024xf8E4M3FN> to vector<256x128xf8E4M3FN>
    %dot_general3A_64 = arith.constant dense<0.000000e+00> : vector<256x128xf32>
    %dot_general3A_65 = tpu.matmul %convert_element_type3A_62, %slice3A_63, %dot_general3A_64 {dimension_numbers = #tpu.dot_dimension_numbers<[1], [0], [0], [1], [0, 0, 1, 1], [], []>, transpose_lhs_hint = false} : vector<256x256xf8E4M3FN>, vector<256x128xf8E4M3FN>, vector<256x128xf32> -> vector<256x128xf32>
    %add3A_66 = arith.addf %add3A_57, %dot_general3A_65 : vector<256x128xf32>
    %slice3A_67 = vector.extract_strided_slice %reshape3A_22 {offsets = [0, 0], sizes = [256, 128], strides = [1, 1]} : vector<256x1024xf8E4M3FN> to vector<256x128xf8E4M3FN>
    %dot_general3A_68 = arith.constant dense<0.000000e+00> : vector<256x256xf32>
    %dot_general3A_69 = tpu.matmul %slice3A, %slice3A_67, %dot_general3A_68 {dimension_numbers = #tpu.dot_dimension_numbers<[1], [1], [0], [0], [0, 0, 1, 0], [], []>, transpose_lhs_hint = false} : vector<256x128xf8E4M3FN>, vector<256x128xf8E4M3FN>, vector<256x256xf32> -> vector<256x256xf32>
    %exp3A_70 = math.exp %dot_general3A_69 : vector<256x256xf32>
    %convert_element_type3A_71 = arith.truncf %exp3A_70 : vector<256x256xf32> to vector<256x256xf8E4M3FN>
    %slice3A_72 = vector.extract_strided_slice %reshape3A_42 {offsets = [0, 0], sizes = [256, 128], strides = [1, 1]} : vector<256x1024xf8E4M3FN> to vector<256x128xf8E4M3FN>
    %dot_general3A_73 = arith.constant dense<0.000000e+00> : vector<256x128xf32>
    %dot_general3A_74 = tpu.matmul %convert_element_type3A_71, %slice3A_72, %dot_general3A_73 {dimension_numbers = #tpu.dot_dimension_numbers<[1], [0], [0], [1], [0, 0, 1, 1], [], []>, transpose_lhs_hint = false} : vector<256x256xf8E4M3FN>, vector<256x128xf8E4M3FN>, vector<256x128xf32> -> vector<256x128xf32>
    %add3A_75 = arith.addf %add3A_66, %dot_general3A_74 : vector<256x128xf32>
    %slice3A_76 = vector.extract_strided_slice %add3A_75 {offsets = [0, 96], sizes = [256, 1], strides = [1, 1]} : vector<256x128xf32> to vector<256x1xf32>
    %div3A = vector.broadcast %slice3A_76 : vector<256x1xf32> to vector<256x128xf32>
    %div3A_77 = arith.divf %add3A_75, %div3A : vector<256x128xf32>
    %convert_element_type3A_78 = arith.truncf %div3A_77 : vector<256x128xf32> to vector<256x128xf8E4M3FN>
    %slice3A_79 = vector.extract_strided_slice %reshape3A {offsets = [0, 128], sizes = [256, 128], strides = [1, 1]} : vector<256x1024xf8E4M3FN> to vector<256x128xf8E4M3FN>
    %broadcast_in_dim3A_80 = arith.constant 0.000000e+00 : f32
    %broadcast_in_dim3A_81 = vector.broadcast %broadcast_in_dim3A_80 : f32 to vector<256x128xf32>
    %slice3A_82 = vector.extract_strided_slice %reshape3A_7 {offsets = [0, 128], sizes = [256, 128], strides = [1, 1]} : vector<256x1024xf8E4M3FN> to vector<256x128xf8E4M3FN>
    %dot_general3A_83 = arith.constant dense<0.000000e+00> : vector<256x256xf32>
    %dot_general3A_84 = tpu.matmul %slice3A_79, %slice3A_82, %dot_general3A_83 {dimension_numbers = #tpu.dot_dimension_numbers<[1], [1], [0], [0], [0, 0, 1, 0], [], []>, transpose_lhs_hint = false} : vector<256x128xf8E4M3FN>, vector<256x128xf8E4M3FN>, vector<256x256xf32> -> vector<256x256xf32>
    %exp3A_85 = math.exp %dot_general3A_84 : vector<256x256xf32>
    %convert_element_type3A_86 = arith.truncf %exp3A_85 : vector<256x256xf32> to vector<256x256xf8E4M3FN>
    %slice3A_87 = vector.extract_strided_slice %reshape3A_27 {offsets = [0, 128], sizes = [256, 128], strides = [1, 1]} : vector<256x1024xf8E4M3FN> to vector<256x128xf8E4M3FN>
    %dot_general3A_88 = arith.constant dense<0.000000e+00> : vector<256x128xf32>
    %dot_general3A_89 = tpu.matmul %convert_element_type3A_86, %slice3A_87, %dot_general3A_88 {dimension_numbers = #tpu.dot_dimension_numbers<[1], [0], [0], [1], [0, 0, 1, 1], [], []>, transpose_lhs_hint = false} : vector<256x256xf8E4M3FN>, vector<256x128xf8E4M3FN>, vector<256x128xf32> -> vector<256x128xf32>
    %add3A_90 = arith.addf %broadcast_in_dim3A_81, %dot_general3A_89 : vector<256x128xf32>
    %slice3A_91 = vector.extract_strided_slice %reshape3A_12 {offsets = [0, 128], sizes = [256, 128], strides = [1, 1]} : vector<256x1024xf8E4M3FN> to vector<256x128xf8E4M3FN>
    %dot_general3A_92 = arith.constant dense<0.000000e+00> : vector<256x256xf32>
    %dot_general3A_93 = tpu.matmul %slice3A_79, %slice3A_91, %dot_general3A_92 {dimension_numbers = #tpu.dot_dimension_numbers<[1], [1], [0], [0], [0, 0, 1, 0], [], []>, transpose_lhs_hint = false} : vector<256x128xf8E4M3FN>, vector<256x128xf8E4M3FN>, vector<256x256xf32> -> vector<256x256xf32>
    %exp3A_94 = math.exp %dot_general3A_93 : vector<256x256xf32>
    %convert_element_type3A_95 = arith.truncf %exp3A_94 : vector<256x256xf32> to vector<256x256xf8E4M3FN>
    %slice3A_96 = vector.extract_strided_slice %reshape3A_32 {offsets = [0, 128], sizes = [256, 128], strides = [1, 1]} : vector<256x1024xf8E4M3FN> to vector<256x128xf8E4M3FN>
    %dot_general3A_97 = arith.constant dense<0.000000e+00> : vector<256x128xf32>
    %dot_general3A_98 = tpu.matmul %convert_element_type3A_95, %slice3A_96, %dot_general3A_97 {dimension_numbers = #tpu.dot_dimension_numbers<[1], [0], [0], [1], [0, 0, 1, 1], [], []>, transpose_lhs_hint = false} : vector<256x256xf8E4M3FN>, vector<256x128xf8E4M3FN>, vector<256x128xf32> -> vector<256x128xf32>
    %add3A_99 = arith.addf %add3A_90, %dot_general3A_98 : vector<256x128xf32>
    %slice3A_100 = vector.extract_strided_slice %reshape3A_17 {offsets = [0, 128], sizes = [256, 128], strides = [1, 1]} : vector<256x1024xf8E4M3FN> to vector<256x128xf8E4M3FN>
    %dot_general3A_101 = arith.constant dense<0.000000e+00> : vector<256x256xf32>
    %dot_general3A_102 = tpu.matmul %slice3A_79, %slice3A_100, %dot_general3A_101 {dimension_numbers = #tpu.dot_dimension_numbers<[1], [1], [0], [0], [0, 0, 1, 0], [], []>, transpose_lhs_hint = false} : vector<256x128xf8E4M3FN>, vector<256x128xf8E4M3FN>, vector<256x256xf32> -> vector<256x256xf32>
    %exp3A_103 = math.exp %dot_general3A_102 : vector<256x256xf32>
    %convert_element_type3A_104 = arith.truncf %exp3A_103 : vector<256x256xf32> to vector<256x256xf8E4M3FN>
    %slice3A_105 = vector.extract_strided_slice %reshape3A_37 {offsets = [0, 128], sizes = [256, 128], strides = [1, 1]} : vector<256x1024xf8E4M3FN> to vector<256x128xf8E4M3FN>
    %dot_general3A_106 = arith.constant dense<0.000000e+00> : vector<256x128xf32>
    %dot_general3A_107 = tpu.matmul %convert_element_type3A_104, %slice3A_105, %dot_general3A_106 {dimension_numbers = #tpu.dot_dimension_numbers<[1], [0], [0], [1], [0, 0, 1, 1], [], []>, transpose_lhs_hint = false} : vector<256x256xf8E4M3FN>, vector<256x128xf8E4M3FN>, vector<256x128xf32> -> vector<256x128xf32>
    %add3A_108 = arith.addf %add3A_99, %dot_general3A_107 : vector<256x128xf32>
    %slice3A_109 = vector.extract_strided_slice %reshape3A_22 {offsets = [0, 128], sizes = [256, 128], strides = [1, 1]} : vector<256x1024xf8E4M3FN> to vector<256x128xf8E4M3FN>
    %dot_general3A_110 = arith.constant dense<0.000000e+00> : vector<256x256xf32>
    %dot_general3A_111 = tpu.matmul %slice3A_79, %slice3A_109, %dot_general3A_110 {dimension_numbers = #tpu.dot_dimension_numbers<[1], [1], [0], [0], [0, 0, 1, 0], [], []>, transpose_lhs_hint = false} : vector<256x128xf8E4M3FN>, vector<256x128xf8E4M3FN>, vector<256x256xf32> -> vector<256x256xf32>
    %exp3A_112 = math.exp %dot_general3A_111 : vector<256x256xf32>
    %convert_element_type3A_113 = arith.truncf %exp3A_112 : vector<256x256xf32> to vector<256x256xf8E4M3FN>
    %slice3A_114 = vector.extract_strided_slice %reshape3A_42 {offsets = [0, 128], sizes = [256, 128], strides = [1, 1]} : vector<256x1024xf8E4M3FN> to vector<256x128xf8E4M3FN>
    %dot_general3A_115 = arith.constant dense<0.000000e+00> : vector<256x128xf32>
    %dot_general3A_116 = tpu.matmul %convert_element_type3A_113, %slice3A_114, %dot_general3A_115 {dimension_numbers = #tpu.dot_dimension_numbers<[1], [0], [0], [1], [0, 0, 1, 1], [], []>, transpose_lhs_hint = false} : vector<256x256xf8E4M3FN>, vector<256x128xf8E4M3FN>, vector<256x128xf32> -> vector<256x128xf32>
    %add3A_117 = arith.addf %add3A_108, %dot_general3A_116 : vector<256x128xf32>
    %slice3A_118 = vector.extract_strided_slice %add3A_117 {offsets = [0, 96], sizes = [256, 1], strides = [1, 1]} : vector<256x128xf32> to vector<256x1xf32>
    %div3A_119 = vector.broadcast %slice3A_118 : vector<256x1xf32> to vector<256x128xf32>
    %div3A_120 = arith.divf %add3A_117, %div3A_119 : vector<256x128xf32>
    %convert_element_type3A_121 = arith.truncf %div3A_120 : vector<256x128xf32> to vector<256x128xf8E4M3FN>
    %slice3A_122 = vector.extract_strided_slice %reshape3A {offsets = [0, 256], sizes = [256, 128], strides = [1, 1]} : vector<256x1024xf8E4M3FN> to vector<256x128xf8E4M3FN>
    %broadcast_in_dim3A_123 = arith.constant 0.000000e+00 : f32
    %broadcast_in_dim3A_124 = vector.broadcast %broadcast_in_dim3A_123 : f32 to vector<256x128xf32>
    %slice3A_125 = vector.extract_strided_slice %reshape3A_7 {offsets = [0, 256], sizes = [256, 128], strides = [1, 1]} : vector<256x1024xf8E4M3FN> to vector<256x128xf8E4M3FN>
    %dot_general3A_126 = arith.constant dense<0.000000e+00> : vector<256x256xf32>
    %dot_general3A_127 = tpu.matmul %slice3A_122, %slice3A_125, %dot_general3A_126 {dimension_numbers = #tpu.dot_dimension_numbers<[1], [1], [0], [0], [0, 0, 1, 0], [], []>, transpose_lhs_hint = false} : vector<256x128xf8E4M3FN>, vector<256x128xf8E4M3FN>, vector<256x256xf32> -> vector<256x256xf32>
    %exp3A_128 = math.exp %dot_general3A_127 : vector<256x256xf32>
    %convert_element_type3A_129 = arith.truncf %exp3A_128 : vector<256x256xf32> to vector<256x256xf8E4M3FN>
    %slice3A_130 = vector.extract_strided_slice %reshape3A_27 {offsets = [0, 256], sizes = [256, 128], strides = [1, 1]} : vector<256x1024xf8E4M3FN> to vector<256x128xf8E4M3FN>
    %dot_general3A_131 = arith.constant dense<0.000000e+00> : vector<256x128xf32>
    %dot_general3A_132 = tpu.matmul %convert_element_type3A_129, %slice3A_130, %dot_general3A_131 {dimension_numbers = #tpu.dot_dimension_numbers<[1], [0], [0], [1], [0, 0, 1, 1], [], []>, transpose_lhs_hint = false} : vector<256x256xf8E4M3FN>, vector<256x128xf8E4M3FN>, vector<256x128xf32> -> vector<256x128xf32>
    %add3A_133 = arith.addf %broadcast_in_dim3A_124, %dot_general3A_132 : vector<256x128xf32>
    %slice3A_134 = vector.extract_strided_slice %reshape3A_12 {offsets = [0, 256], sizes = [256, 128], strides = [1, 1]} : vector<256x1024xf8E4M3FN> to vector<256x128xf8E4M3FN>
    %dot_general3A_135 = arith.constant dense<0.000000e+00> : vector<256x256xf32>
    %dot_general3A_136 = tpu.matmul %slice3A_122, %slice3A_134, %dot_general3A_135 {dimension_numbers = #tpu.dot_dimension_numbers<[1], [1], [0], [0], [0, 0, 1, 0], [], []>, transpose_lhs_hint = false} : vector<256x128xf8E4M3FN>, vector<256x128xf8E4M3FN>, vector<256x256xf32> -> vector<256x256xf32>
    %exp3A_137 = math.exp %dot_general3A_136 : vector<256x256xf32>
    %convert_element_type3A_138 = arith.truncf %exp3A_137 : vector<256x256xf32> to vector<256x256xf8E4M3FN>
    %slice3A_139 = vector.extract_strided_slice %reshape3A_32 {offsets = [0, 256], sizes = [256, 128], strides = [1, 1]} : vector<256x1024xf8E4M3FN> to vector<256x128xf8E4M3FN>
    %dot_general3A_140 = arith.constant dense<0.000000e+00> : vector<256x128xf32>
    %dot_general3A_141 = tpu.matmul %convert_element_type3A_138, %slice3A_139, %dot_general3A_140 {dimension_numbers = #tpu.dot_dimension_numbers<[1], [0], [0], [1], [0, 0, 1, 1], [], []>, transpose_lhs_hint = false} : vector<256x256xf8E4M3FN>, vector<256x128xf8E4M3FN>, vector<256x128xf32> -> vector<256x128xf32>
    %add3A_142 = arith.addf %add3A_133, %dot_general3A_141 : vector<256x128xf32>
    %slice3A_143 = vector.extract_strided_slice %reshape3A_17 {offsets = [0, 256], sizes = [256, 128], strides = [1, 1]} : vector<256x1024xf8E4M3FN> to vector<256x128xf8E4M3FN>
    %dot_general3A_144 = arith.constant dense<0.000000e+00> : vector<256x256xf32>
    %dot_general3A_145 = tpu.matmul %slice3A_122, %slice3A_143, %dot_general3A_144 {dimension_numbers = #tpu.dot_dimension_numbers<[1], [1], [0], [0], [0, 0, 1, 0], [], []>, transpose_lhs_hint = false} : vector<256x128xf8E4M3FN>, vector<256x128xf8E4M3FN>, vector<256x256xf32> -> vector<256x256xf32>
    %exp3A_146 = math.exp %dot_general3A_145 : vector<256x256xf32>
    %convert_element_type3A_147 = arith.truncf %exp3A_146 : vector<256x256xf32> to vector<256x256xf8E4M3FN>
    %slice3A_148 = vector.extract_strided_slice %reshape3A_37 {offsets = [0, 256], sizes = [256, 128], strides = [1, 1]} : vector<256x1024xf8E4M3FN> to vector<256x128xf8E4M3FN>
    %dot_general3A_149 = arith.constant dense<0.000000e+00> : vector<256x128xf32>
    %dot_general3A_150 = tpu.matmul %convert_element_type3A_147, %slice3A_148, %dot_general3A_149 {dimension_numbers = #tpu.dot_dimension_numbers<[1], [0], [0], [1], [0, 0, 1, 1], [], []>, transpose_lhs_hint = false} : vector<256x256xf8E4M3FN>, vector<256x128xf8E4M3FN>, vector<256x128xf32> -> vector<256x128xf32>
    %add3A_151 = arith.addf %add3A_142, %dot_general3A_150 : vector<256x128xf32>
    %slice3A_152 = vector.extract_strided_slice %reshape3A_22 {offsets = [0, 256], sizes = [256, 128], strides = [1, 1]} : vector<256x1024xf8E4M3FN> to vector<256x128xf8E4M3FN>
    %dot_general3A_153 = arith.constant dense<0.000000e+00> : vector<256x256xf32>
    %dot_general3A_154 = tpu.matmul %slice3A_122, %slice3A_152, %dot_general3A_153 {dimension_numbers = #tpu.dot_dimension_numbers<[1], [1], [0], [0], [0, 0, 1, 0], [], []>, transpose_lhs_hint = false} : vector<256x128xf8E4M3FN>, vector<256x128xf8E4M3FN>, vector<256x256xf32> -> vector<256x256xf32>
    %exp3A_155 = math.exp %dot_general3A_154 : vector<256x256xf32>
    %convert_element_type3A_156 = arith.truncf %exp3A_155 : vector<256x256xf32> to vector<256x256xf8E4M3FN>
    %slice3A_157 = vector.extract_strided_slice %reshape3A_42 {offsets = [0, 256], sizes = [256, 128], strides = [1, 1]} : vector<256x1024xf8E4M3FN> to vector<256x128xf8E4M3FN>
    %dot_general3A_158 = arith.constant dense<0.000000e+00> : vector<256x128xf32>
    %dot_general3A_159 = tpu.matmul %convert_element_type3A_156, %slice3A_157, %dot_general3A_158 {dimension_numbers = #tpu.dot_dimension_numbers<[1], [0], [0], [1], [0, 0, 1, 1], [], []>, transpose_lhs_hint = false} : vector<256x256xf8E4M3FN>, vector<256x128xf8E4M3FN>, vector<256x128xf32> -> vector<256x128xf32>
    %add3A_160 = arith.addf %add3A_151, %dot_general3A_159 : vector<256x128xf32>
    %slice3A_161 = vector.extract_strided_slice %add3A_160 {offsets = [0, 96], sizes = [256, 1], strides = [1, 1]} : vector<256x128xf32> to vector<256x1xf32>
    %div3A_162 = vector.broadcast %slice3A_161 : vector<256x1xf32> to vector<256x128xf32>
    %div3A_163 = arith.divf %add3A_160, %div3A_162 : vector<256x128xf32>
    %convert_element_type3A_164 = arith.truncf %div3A_163 : vector<256x128xf32> to vector<256x128xf8E4M3FN>
    %slice3A_165 = vector.extract_strided_slice %reshape3A {offsets = [0, 384], sizes = [256, 128], strides = [1, 1]} : vector<256x1024xf8E4M3FN> to vector<256x128xf8E4M3FN>
    %broadcast_in_dim3A_166 = arith.constant 0.000000e+00 : f32
    %broadcast_in_dim3A_167 = vector.broadcast %broadcast_in_dim3A_166 : f32 to vector<256x128xf32>
    %slice3A_168 = vector.extract_strided_slice %reshape3A_7 {offsets = [0, 384], sizes = [256, 128], strides = [1, 1]} : vector<256x1024xf8E4M3FN> to vector<256x128xf8E4M3FN>
    %dot_general3A_169 = arith.constant dense<0.000000e+00> : vector<256x256xf32>
    %dot_general3A_170 = tpu.matmul %slice3A_165, %slice3A_168, %dot_general3A_169 {dimension_numbers = #tpu.dot_dimension_numbers<[1], [1], [0], [0], [0, 0, 1, 0], [], []>, transpose_lhs_hint = false} : vector<256x128xf8E4M3FN>, vector<256x128xf8E4M3FN>, vector<256x256xf32> -> vector<256x256xf32>
    %exp3A_171 = math.exp %dot_general3A_170 : vector<256x256xf32>
    %convert_element_type3A_172 = arith.truncf %exp3A_171 : vector<256x256xf32> to vector<256x256xf8E4M3FN>
    %slice3A_173 = vector.extract_strided_slice %reshape3A_27 {offsets = [0, 384], sizes = [256, 128], strides = [1, 1]} : vector<256x1024xf8E4M3FN> to vector<256x128xf8E4M3FN>
    %dot_general3A_174 = arith.constant dense<0.000000e+00> : vector<256x128xf32>
    %dot_general3A_175 = tpu.matmul %convert_element_type3A_172, %slice3A_173, %dot_general3A_174 {dimension_numbers = #tpu.dot_dimension_numbers<[1], [0], [0], [1], [0, 0, 1, 1], [], []>, transpose_lhs_hint = false} : vector<256x256xf8E4M3FN>, vector<256x128xf8E4M3FN>, vector<256x128xf32> -> vector<256x128xf32>
    %add3A_176 = arith.addf %broadcast_in_dim3A_167, %dot_general3A_175 : vector<256x128xf32>
    %slice3A_177 = vector.extract_strided_slice %reshape3A_12 {offsets = [0, 384], sizes = [256, 128], strides = [1, 1]} : vector<256x1024xf8E4M3FN> to vector<256x128xf8E4M3FN>
    %dot_general3A_178 = arith.constant dense<0.000000e+00> : vector<256x256xf32>
    %dot_general3A_179 = tpu.matmul %slice3A_165, %slice3A_177, %dot_general3A_178 {dimension_numbers = #tpu.dot_dimension_numbers<[1], [1], [0], [0], [0, 0, 1, 0], [], []>, transpose_lhs_hint = false} : vector<256x128xf8E4M3FN>, vector<256x128xf8E4M3FN>, vector<256x256xf32> -> vector<256x256xf32>
    %exp3A_180 = math.exp %dot_general3A_179 : vector<256x256xf32>
    %convert_element_type3A_181 = arith.truncf %exp3A_180 : vector<256x256xf32> to vector<256x256xf8E4M3FN>
    %slice3A_182 = vector.extract_strided_slice %reshape3A_32 {offsets = [0, 384], sizes = [256, 128], strides = [1, 1]} : vector<256x1024xf8E4M3FN> to vector<256x128xf8E4M3FN>
    %dot_general3A_183 = arith.constant dense<0.000000e+00> : vector<256x128xf32>
    %dot_general3A_184 = tpu.matmul %convert_element_type3A_181, %slice3A_182, %dot_general3A_183 {dimension_numbers = #tpu.dot_dimension_numbers<[1], [0], [0], [1], [0, 0, 1, 1], [], []>, transpose_lhs_hint = false} : vector<256x256xf8E4M3FN>, vector<256x128xf8E4M3FN>, vector<256x128xf32> -> vector<256x128xf32>
    %add3A_185 = arith.addf %add3A_176, %dot_general3A_184 : vector<256x128xf32>
    %slice3A_186 = vector.extract_strided_slice %reshape3A_17 {offsets = [0, 384], sizes = [256, 128], strides = [1, 1]} : vector<256x1024xf8E4M3FN> to vector<256x128xf8E4M3FN>
    %dot_general3A_187 = arith.constant dense<0.000000e+00> : vector<256x256xf32>
    %dot_general3A_188 = tpu.matmul %slice3A_165, %slice3A_186, %dot_general3A_187 {dimension_numbers = #tpu.dot_dimension_numbers<[1], [1], [0], [0], [0, 0, 1, 0], [], []>, transpose_lhs_hint = false} : vector<256x128xf8E4M3FN>, vector<256x128xf8E4M3FN>, vector<256x256xf32> -> vector<256x256xf32>
    %exp3A_189 = math.exp %dot_general3A_188 : vector<256x256xf32>
    %convert_element_type3A_190 = arith.truncf %exp3A_189 : vector<256x256xf32> to vector<256x256xf8E4M3FN>
    %slice3A_191 = vector.extract_strided_slice %reshape3A_37 {offsets = [0, 384], sizes = [256, 128], strides = [1, 1]} : vector<256x1024xf8E4M3FN> to vector<256x128xf8E4M3FN>
    %dot_general3A_192 = arith.constant dense<0.000000e+00> : vector<256x128xf32>
    %dot_general3A_193 = tpu.matmul %convert_element_type3A_190, %slice3A_191, %dot_general3A_192 {dimension_numbers = #tpu.dot_dimension_numbers<[1], [0], [0], [1], [0, 0, 1, 1], [], []>, transpose_lhs_hint = false} : vector<256x256xf8E4M3FN>, vector<256x128xf8E4M3FN>, vector<256x128xf32> -> vector<256x128xf32>
    %add3A_194 = arith.addf %add3A_185, %dot_general3A_193 : vector<256x128xf32>
    %slice3A_195 = vector.extract_strided_slice %reshape3A_22 {offsets = [0, 384], sizes = [256, 128], strides = [1, 1]} : vector<256x1024xf8E4M3FN> to vector<256x128xf8E4M3FN>
    %dot_general3A_196 = arith.constant dense<0.000000e+00> : vector<256x256xf32>
    %dot_general3A_197 = tpu.matmul %slice3A_165, %slice3A_195, %dot_general3A_196 {dimension_numbers = #tpu.dot_dimension_numbers<[1], [1], [0], [0], [0, 0, 1, 0], [], []>, transpose_lhs_hint = false} : vector<256x128xf8E4M3FN>, vector<256x128xf8E4M3FN>, vector<256x256xf32> -> vector<256x256xf32>
    %exp3A_198 = math.exp %dot_general3A_197 : vector<256x256xf32>
    %convert_element_type3A_199 = arith.truncf %exp3A_198 : vector<256x256xf32> to vector<256x256xf8E4M3FN>
    %slice3A_200 = vector.extract_strided_slice %reshape3A_42 {offsets = [0, 384], sizes = [256, 128], strides = [1, 1]} : vector<256x1024xf8E4M3FN> to vector<256x128xf8E4M3FN>
    %dot_general3A_201 = arith.constant dense<0.000000e+00> : vector<256x128xf32>
    %dot_general3A_202 = tpu.matmul %convert_element_type3A_199, %slice3A_200, %dot_general3A_201 {dimension_numbers = #tpu.dot_dimension_numbers<[1], [0], [0], [1], [0, 0, 1, 1], [], []>, transpose_lhs_hint = false} : vector<256x256xf8E4M3FN>, vector<256x128xf8E4M3FN>, vector<256x128xf32> -> vector<256x128xf32>
    %add3A_203 = arith.addf %add3A_194, %dot_general3A_202 : vector<256x128xf32>
    %slice3A_204 = vector.extract_strided_slice %add3A_203 {offsets = [0, 96], sizes = [256, 1], strides = [1, 1]} : vector<256x128xf32> to vector<256x1xf32>
    %div3A_205 = vector.broadcast %slice3A_204 : vector<256x1xf32> to vector<256x128xf32>
    %div3A_206 = arith.divf %add3A_203, %div3A_205 : vector<256x128xf32>
    %convert_element_type3A_207 = arith.truncf %div3A_206 : vector<256x128xf32> to vector<256x128xf8E4M3FN>
    %slice3A_208 = vector.extract_strided_slice %reshape3A {offsets = [0, 512], sizes = [256, 128], strides = [1, 1]} : vector<256x1024xf8E4M3FN> to vector<256x128xf8E4M3FN>
    %broadcast_in_dim3A_209 = arith.constant 0.000000e+00 : f32
    %broadcast_in_dim3A_210 = vector.broadcast %broadcast_in_dim3A_209 : f32 to vector<256x128xf32>
    %slice3A_211 = vector.extract_strided_slice %reshape3A_7 {offsets = [0, 512], sizes = [256, 128], strides = [1, 1]} : vector<256x1024xf8E4M3FN> to vector<256x128xf8E4M3FN>
    %dot_general3A_212 = arith.constant dense<0.000000e+00> : vector<256x256xf32>
    %dot_general3A_213 = tpu.matmul %slice3A_208, %slice3A_211, %dot_general3A_212 {dimension_numbers = #tpu.dot_dimension_numbers<[1], [1], [0], [0], [0, 0, 1, 0], [], []>, transpose_lhs_hint = false} : vector<256x128xf8E4M3FN>, vector<256x128xf8E4M3FN>, vector<256x256xf32> -> vector<256x256xf32>
    %exp3A_214 = math.exp %dot_general3A_213 : vector<256x256xf32>
    %convert_element_type3A_215 = arith.truncf %exp3A_214 : vector<256x256xf32> to vector<256x256xf8E4M3FN>
    %slice3A_216 = vector.extract_strided_slice %reshape3A_27 {offsets = [0, 512], sizes = [256, 128], strides = [1, 1]} : vector<256x1024xf8E4M3FN> to vector<256x128xf8E4M3FN>
    %dot_general3A_217 = arith.constant dense<0.000000e+00> : vector<256x128xf32>
    %dot_general3A_218 = tpu.matmul %convert_element_type3A_215, %slice3A_216, %dot_general3A_217 {dimension_numbers = #tpu.dot_dimension_numbers<[1], [0], [0], [1], [0, 0, 1, 1], [], []>, transpose_lhs_hint = false} : vector<256x256xf8E4M3FN>, vector<256x128xf8E4M3FN>, vector<256x128xf32> -> vector<256x128xf32>
    %add3A_219 = arith.addf %broadcast_in_dim3A_210, %dot_general3A_218 : vector<256x128xf32>
    %slice3A_220 = vector.extract_strided_slice %reshape3A_12 {offsets = [0, 512], sizes = [256, 128], strides = [1, 1]} : vector<256x1024xf8E4M3FN> to vector<256x128xf8E4M3FN>
    %dot_general3A_221 = arith.constant dense<0.000000e+00> : vector<256x256xf32>
    %dot_general3A_222 = tpu.matmul %slice3A_208, %slice3A_220, %dot_general3A_221 {dimension_numbers = #tpu.dot_dimension_numbers<[1], [1], [0], [0], [0, 0, 1, 0], [], []>, transpose_lhs_hint = false} : vector<256x128xf8E4M3FN>, vector<256x128xf8E4M3FN>, vector<256x256xf32> -> vector<256x256xf32>
    %exp3A_223 = math.exp %dot_general3A_222 : vector<256x256xf32>
    %convert_element_type3A_224 = arith.truncf %exp3A_223 : vector<256x256xf32> to vector<256x256xf8E4M3FN>
    %slice3A_225 = vector.extract_strided_slice %reshape3A_32 {offsets = [0, 512], sizes = [256, 128], strides = [1, 1]} : vector<256x1024xf8E4M3FN> to vector<256x128xf8E4M3FN>
    %dot_general3A_226 = arith.constant dense<0.000000e+00> : vector<256x128xf32>
    %dot_general3A_227 = tpu.matmul %convert_element_type3A_224, %slice3A_225, %dot_general3A_226 {dimension_numbers = #tpu.dot_dimension_numbers<[1], [0], [0], [1], [0, 0, 1, 1], [], []>, transpose_lhs_hint = false} : vector<256x256xf8E4M3FN>, vector<256x128xf8E4M3FN>, vector<256x128xf32> -> vector<256x128xf32>
    %add3A_228 = arith.addf %add3A_219, %dot_general3A_227 : vector<256x128xf32>
    %slice3A_229 = vector.extract_strided_slice %reshape3A_17 {offsets = [0, 512], sizes = [256, 128], strides = [1, 1]} : vector<256x1024xf8E4M3FN> to vector<256x128xf8E4M3FN>
    %dot_general3A_230 = arith.constant dense<0.000000e+00> : vector<256x256xf32>
    %dot_general3A_231 = tpu.matmul %slice3A_208, %slice3A_229, %dot_general3A_230 {dimension_numbers = #tpu.dot_dimension_numbers<[1], [1], [0], [0], [0, 0, 1, 0], [], []>, transpose_lhs_hint = false} : vector<256x128xf8E4M3FN>, vector<256x128xf8E4M3FN>, vector<256x256xf32> -> vector<256x256xf32>
    %exp3A_232 = math.exp %dot_general3A_231 : vector<256x256xf32>
    %convert_element_type3A_233 = arith.truncf %exp3A_232 : vector<256x256xf32> to vector<256x256xf8E4M3FN>
    %slice3A_234 = vector.extract_strided_slice %reshape3A_37 {offsets = [0, 512], sizes = [256, 128], strides = [1, 1]} : vector<256x1024xf8E4M3FN> to vector<256x128xf8E4M3FN>
    %dot_general3A_235 = arith.constant dense<0.000000e+00> : vector<256x128xf32>
    %dot_general3A_236 = tpu.matmul %convert_element_type3A_233, %slice3A_234, %dot_general3A_235 {dimension_numbers = #tpu.dot_dimension_numbers<[1], [0], [0], [1], [0, 0, 1, 1], [], []>, transpose_lhs_hint = false} : vector<256x256xf8E4M3FN>, vector<256x128xf8E4M3FN>, vector<256x128xf32> -> vector<256x128xf32>
    %add3A_237 = arith.addf %add3A_228, %dot_general3A_236 : vector<256x128xf32>
    %slice3A_238 = vector.extract_strided_slice %reshape3A_22 {offsets = [0, 512], sizes = [256, 128], strides = [1, 1]} : vector<256x1024xf8E4M3FN> to vector<256x128xf8E4M3FN>
    %dot_general3A_239 = arith.constant dense<0.000000e+00> : vector<256x256xf32>
    %dot_general3A_240 = tpu.matmul %slice3A_208, %slice3A_238, %dot_general3A_239 {dimension_numbers = #tpu.dot_dimension_numbers<[1], [1], [0], [0], [0, 0, 1, 0], [], []>, transpose_lhs_hint = false} : vector<256x128xf8E4M3FN>, vector<256x128xf8E4M3FN>, vector<256x256xf32> -> vector<256x256xf32>
    %exp3A_241 = math.exp %dot_general3A_240 : vector<256x256xf32>
    %convert_element_type3A_242 = arith.truncf %exp3A_241 : vector<256x256xf32> to vector<256x256xf8E4M3FN>
    %slice3A_243 = vector.extract_strided_slice %reshape3A_42 {offsets = [0, 512], sizes = [256, 128], strides = [1, 1]} : vector<256x1024xf8E4M3FN> to vector<256x128xf8E4M3FN>
    %dot_general3A_244 = arith.constant dense<0.000000e+00> : vector<256x128xf32>
    %dot_general3A_245 = tpu.matmul %convert_element_type3A_242, %slice3A_243, %dot_general3A_244 {dimension_numbers = #tpu.dot_dimension_numbers<[1], [0], [0], [1], [0, 0, 1, 1], [], []>, transpose_lhs_hint = false} : vector<256x256xf8E4M3FN>, vector<256x128xf8E4M3FN>, vector<256x128xf32> -> vector<256x128xf32>
    %add3A_246 = arith.addf %add3A_237, %dot_general3A_245 : vector<256x128xf32>
    %slice3A_247 = vector.extract_strided_slice %add3A_246 {offsets = [0, 96], sizes = [256, 1], strides = [1, 1]} : vector<256x128xf32> to vector<256x1xf32>
    %div3A_248 = vector.broadcast %slice3A_247 : vector<256x1xf32> to vector<256x128xf32>
    %div3A_249 = arith.divf %add3A_246, %div3A_248 : vector<256x128xf32>
    %convert_element_type3A_250 = arith.truncf %div3A_249 : vector<256x128xf32> to vector<256x128xf8E4M3FN>
    %slice3A_251 = vector.extract_strided_slice %reshape3A {offsets = [0, 640], sizes = [256, 128], strides = [1, 1]} : vector<256x1024xf8E4M3FN> to vector<256x128xf8E4M3FN>
    %broadcast_in_dim3A_252 = arith.constant 0.000000e+00 : f32
    %broadcast_in_dim3A_253 = vector.broadcast %broadcast_in_dim3A_252 : f32 to vector<256x128xf32>
    %slice3A_254 = vector.extract_strided_slice %reshape3A_7 {offsets = [0, 640], sizes = [256, 128], strides = [1, 1]} : vector<256x1024xf8E4M3FN> to vector<256x128xf8E4M3FN>
    %dot_general3A_255 = arith.constant dense<0.000000e+00> : vector<256x256xf32>
    %dot_general3A_256 = tpu.matmul %slice3A_251, %slice3A_254, %dot_general3A_255 {dimension_numbers = #tpu.dot_dimension_numbers<[1], [1], [0], [0], [0, 0, 1, 0], [], []>, transpose_lhs_hint = false} : vector<256x128xf8E4M3FN>, vector<256x128xf8E4M3FN>, vector<256x256xf32> -> vector<256x256xf32>
    %exp3A_257 = math.exp %dot_general3A_256 : vector<256x256xf32>
    %convert_element_type3A_258 = arith.truncf %exp3A_257 : vector<256x256xf32> to vector<256x256xf8E4M3FN>
    %slice3A_259 = vector.extract_strided_slice %reshape3A_27 {offsets = [0, 640], sizes = [256, 128], strides = [1, 1]} : vector<256x1024xf8E4M3FN> to vector<256x128xf8E4M3FN>
    %dot_general3A_260 = arith.constant dense<0.000000e+00> : vector<256x128xf32>
    %dot_general3A_261 = tpu.matmul %convert_element_type3A_258, %slice3A_259, %dot_general3A_260 {dimension_numbers = #tpu.dot_dimension_numbers<[1], [0], [0], [1], [0, 0, 1, 1], [], []>, transpose_lhs_hint = false} : vector<256x256xf8E4M3FN>, vector<256x128xf8E4M3FN>, vector<256x128xf32> -> vector<256x128xf32>
    %add3A_262 = arith.addf %broadcast_in_dim3A_253, %dot_general3A_261 : vector<256x128xf32>
    %slice3A_263 = vector.extract_strided_slice %reshape3A_12 {offsets = [0, 640], sizes = [256, 128], strides = [1, 1]} : vector<256x1024xf8E4M3FN> to vector<256x128xf8E4M3FN>
    %dot_general3A_264 = arith.constant dense<0.000000e+00> : vector<256x256xf32>
    %dot_general3A_265 = tpu.matmul %slice3A_251, %slice3A_263, %dot_general3A_264 {dimension_numbers = #tpu.dot_dimension_numbers<[1], [1], [0], [0], [0, 0, 1, 0], [], []>, transpose_lhs_hint = false} : vector<256x128xf8E4M3FN>, vector<256x128xf8E4M3FN>, vector<256x256xf32> -> vector<256x256xf32>
    %exp3A_266 = math.exp %dot_general3A_265 : vector<256x256xf32>
    %convert_element_type3A_267 = arith.truncf %exp3A_266 : vector<256x256xf32> to vector<256x256xf8E4M3FN>
    %slice3A_268 = vector.extract_strided_slice %reshape3A_32 {offsets = [0, 640], sizes = [256, 128], strides = [1, 1]} : vector<256x1024xf8E4M3FN> to vector<256x128xf8E4M3FN>
    %dot_general3A_269 = arith.constant dense<0.000000e+00> : vector<256x128xf32>
    %dot_general3A_270 = tpu.matmul %convert_element_type3A_267, %slice3A_268, %dot_general3A_269 {dimension_numbers = #tpu.dot_dimension_numbers<[1], [0], [0], [1], [0, 0, 1, 1], [], []>, transpose_lhs_hint = false} : vector<256x256xf8E4M3FN>, vector<256x128xf8E4M3FN>, vector<256x128xf32> -> vector<256x128xf32>
    %add3A_271 = arith.addf %add3A_262, %dot_general3A_270 : vector<256x128xf32>
    %slice3A_272 = vector.extract_strided_slice %reshape3A_17 {offsets = [0, 640], sizes = [256, 128], strides = [1, 1]} : vector<256x1024xf8E4M3FN> to vector<256x128xf8E4M3FN>
    %dot_general3A_273 = arith.constant dense<0.000000e+00> : vector<256x256xf32>
    %dot_general3A_274 = tpu.matmul %slice3A_251, %slice3A_272, %dot_general3A_273 {dimension_numbers = #tpu.dot_dimension_numbers<[1], [1], [0], [0], [0, 0, 1, 0], [], []>, transpose_lhs_hint = false} : vector<256x128xf8E4M3FN>, vector<256x128xf8E4M3FN>, vector<256x256xf32> -> vector<256x256xf32>
    %exp3A_275 = math.exp %dot_general3A_274 : vector<256x256xf32>
    %convert_element_type3A_276 = arith.truncf %exp3A_275 : vector<256x256xf32> to vector<256x256xf8E4M3FN>
    %slice3A_277 = vector.extract_strided_slice %reshape3A_37 {offsets = [0, 640], sizes = [256, 128], strides = [1, 1]} : vector<256x1024xf8E4M3FN> to vector<256x128xf8E4M3FN>
    %dot_general3A_278 = arith.constant dense<0.000000e+00> : vector<256x128xf32>
    %dot_general3A_279 = tpu.matmul %convert_element_type3A_276, %slice3A_277, %dot_general3A_278 {dimension_numbers = #tpu.dot_dimension_numbers<[1], [0], [0], [1], [0, 0, 1, 1], [], []>, transpose_lhs_hint = false} : vector<256x256xf8E4M3FN>, vector<256x128xf8E4M3FN>, vector<256x128xf32> -> vector<256x128xf32>
    %add3A_280 = arith.addf %add3A_271, %dot_general3A_279 : vector<256x128xf32>
    %slice3A_281 = vector.extract_strided_slice %reshape3A_22 {offsets = [0, 640], sizes = [256, 128], strides = [1, 1]} : vector<256x1024xf8E4M3FN> to vector<256x128xf8E4M3FN>
    %dot_general3A_282 = arith.constant dense<0.000000e+00> : vector<256x256xf32>
    %dot_general3A_283 = tpu.matmul %slice3A_251, %slice3A_281, %dot_general3A_282 {dimension_numbers = #tpu.dot_dimension_numbers<[1], [1], [0], [0], [0, 0, 1, 0], [], []>, transpose_lhs_hint = false} : vector<256x128xf8E4M3FN>, vector<256x128xf8E4M3FN>, vector<256x256xf32> -> vector<256x256xf32>
    %exp3A_284 = math.exp %dot_general3A_283 : vector<256x256xf32>
    %convert_element_type3A_285 = arith.truncf %exp3A_284 : vector<256x256xf32> to vector<256x256xf8E4M3FN>
    %slice3A_286 = vector.extract_strided_slice %reshape3A_42 {offsets = [0, 640], sizes = [256, 128], strides = [1, 1]} : vector<256x1024xf8E4M3FN> to vector<256x128xf8E4M3FN>
    %dot_general3A_287 = arith.constant dense<0.000000e+00> : vector<256x128xf32>
    %dot_general3A_288 = tpu.matmul %convert_element_type3A_285, %slice3A_286, %dot_general3A_287 {dimension_numbers = #tpu.dot_dimension_numbers<[1], [0], [0], [1], [0, 0, 1, 1], [], []>, transpose_lhs_hint = false} : vector<256x256xf8E4M3FN>, vector<256x128xf8E4M3FN>, vector<256x128xf32> -> vector<256x128xf32>
    %add3A_289 = arith.addf %add3A_280, %dot_general3A_288 : vector<256x128xf32>
    %slice3A_290 = vector.extract_strided_slice %add3A_289 {offsets = [0, 96], sizes = [256, 1], strides = [1, 1]} : vector<256x128xf32> to vector<256x1xf32>
    %div3A_291 = vector.broadcast %slice3A_290 : vector<256x1xf32> to vector<256x128xf32>
    %div3A_292 = arith.divf %add3A_289, %div3A_291 : vector<256x128xf32>
    %convert_element_type3A_293 = arith.truncf %div3A_292 : vector<256x128xf32> to vector<256x128xf8E4M3FN>
    %slice3A_294 = vector.extract_strided_slice %reshape3A {offsets = [0, 768], sizes = [256, 128], strides = [1, 1]} : vector<256x1024xf8E4M3FN> to vector<256x128xf8E4M3FN>
    %broadcast_in_dim3A_295 = arith.constant 0.000000e+00 : f32
    %broadcast_in_dim3A_296 = vector.broadcast %broadcast_in_dim3A_295 : f32 to vector<256x128xf32>
    %slice3A_297 = vector.extract_strided_slice %reshape3A_7 {offsets = [0, 768], sizes = [256, 128], strides = [1, 1]} : vector<256x1024xf8E4M3FN> to vector<256x128xf8E4M3FN>
    %dot_general3A_298 = arith.constant dense<0.000000e+00> : vector<256x256xf32>
    %dot_general3A_299 = tpu.matmul %slice3A_294, %slice3A_297, %dot_general3A_298 {dimension_numbers = #tpu.dot_dimension_numbers<[1], [1], [0], [0], [0, 0, 1, 0], [], []>, transpose_lhs_hint = false} : vector<256x128xf8E4M3FN>, vector<256x128xf8E4M3FN>, vector<256x256xf32> -> vector<256x256xf32>
    %exp3A_300 = math.exp %dot_general3A_299 : vector<256x256xf32>
    %convert_element_type3A_301 = arith.truncf %exp3A_300 : vector<256x256xf32> to vector<256x256xf8E4M3FN>
    %slice3A_302 = vector.extract_strided_slice %reshape3A_27 {offsets = [0, 768], sizes = [256, 128], strides = [1, 1]} : vector<256x1024xf8E4M3FN> to vector<256x128xf8E4M3FN>
    %dot_general3A_303 = arith.constant dense<0.000000e+00> : vector<256x128xf32>
    %dot_general3A_304 = tpu.matmul %convert_element_type3A_301, %slice3A_302, %dot_general3A_303 {dimension_numbers = #tpu.dot_dimension_numbers<[1], [0], [0], [1], [0, 0, 1, 1], [], []>, transpose_lhs_hint = false} : vector<256x256xf8E4M3FN>, vector<256x128xf8E4M3FN>, vector<256x128xf32> -> vector<256x128xf32>
    %add3A_305 = arith.addf %broadcast_in_dim3A_296, %dot_general3A_304 : vector<256x128xf32>
    %slice3A_306 = vector.extract_strided_slice %reshape3A_12 {offsets = [0, 768], sizes = [256, 128], strides = [1, 1]} : vector<256x1024xf8E4M3FN> to vector<256x128xf8E4M3FN>
    %dot_general3A_307 = arith.constant dense<0.000000e+00> : vector<256x256xf32>
    %dot_general3A_308 = tpu.matmul %slice3A_294, %slice3A_306, %dot_general3A_307 {dimension_numbers = #tpu.dot_dimension_numbers<[1], [1], [0], [0], [0, 0, 1, 0], [], []>, transpose_lhs_hint = false} : vector<256x128xf8E4M3FN>, vector<256x128xf8E4M3FN>, vector<256x256xf32> -> vector<256x256xf32>
    %exp3A_309 = math.exp %dot_general3A_308 : vector<256x256xf32>
    %convert_element_type3A_310 = arith.truncf %exp3A_309 : vector<256x256xf32> to vector<256x256xf8E4M3FN>
    %slice3A_311 = vector.extract_strided_slice %reshape3A_32 {offsets = [0, 768], sizes = [256, 128], strides = [1, 1]} : vector<256x1024xf8E4M3FN> to vector<256x128xf8E4M3FN>
    %dot_general3A_312 = arith.constant dense<0.000000e+00> : vector<256x128xf32>
    %dot_general3A_313 = tpu.matmul %convert_element_type3A_310, %slice3A_311, %dot_general3A_312 {dimension_numbers = #tpu.dot_dimension_numbers<[1], [0], [0], [1], [0, 0, 1, 1], [], []>, transpose_lhs_hint = false} : vector<256x256xf8E4M3FN>, vector<256x128xf8E4M3FN>, vector<256x128xf32> -> vector<256x128xf32>
    %add3A_314 = arith.addf %add3A_305, %dot_general3A_313 : vector<256x128xf32>
    %slice3A_315 = vector.extract_strided_slice %reshape3A_17 {offsets = [0, 768], sizes = [256, 128], strides = [1, 1]} : vector<256x1024xf8E4M3FN> to vector<256x128xf8E4M3FN>
    %dot_general3A_316 = arith.constant dense<0.000000e+00> : vector<256x256xf32>
    %dot_general3A_317 = tpu.matmul %slice3A_294, %slice3A_315, %dot_general3A_316 {dimension_numbers = #tpu.dot_dimension_numbers<[1], [1], [0], [0], [0, 0, 1, 0], [], []>, transpose_lhs_hint = false} : vector<256x128xf8E4M3FN>, vector<256x128xf8E4M3FN>, vector<256x256xf32> -> vector<256x256xf32>
    %exp3A_318 = math.exp %dot_general3A_317 : vector<256x256xf32>
    %convert_element_type3A_319 = arith.truncf %exp3A_318 : vector<256x256xf32> to vector<256x256xf8E4M3FN>
    %slice3A_320 = vector.extract_strided_slice %reshape3A_37 {offsets = [0, 768], sizes = [256, 128], strides = [1, 1]} : vector<256x1024xf8E4M3FN> to vector<256x128xf8E4M3FN>
    %dot_general3A_321 = arith.constant dense<0.000000e+00> : vector<256x128xf32>
    %dot_general3A_322 = tpu.matmul %convert_element_type3A_319, %slice3A_320, %dot_general3A_321 {dimension_numbers = #tpu.dot_dimension_numbers<[1], [0], [0], [1], [0, 0, 1, 1], [], []>, transpose_lhs_hint = false} : vector<256x256xf8E4M3FN>, vector<256x128xf8E4M3FN>, vector<256x128xf32> -> vector<256x128xf32>
    %add3A_323 = arith.addf %add3A_314, %dot_general3A_322 : vector<256x128xf32>
    %slice3A_324 = vector.extract_strided_slice %reshape3A_22 {offsets = [0, 768], sizes = [256, 128], strides = [1, 1]} : vector<256x1024xf8E4M3FN> to vector<256x128xf8E4M3FN>
    %dot_general3A_325 = arith.constant dense<0.000000e+00> : vector<256x256xf32>
    %dot_general3A_326 = tpu.matmul %slice3A_294, %slice3A_324, %dot_general3A_325 {dimension_numbers = #tpu.dot_dimension_numbers<[1], [1], [0], [0], [0, 0, 1, 0], [], []>, transpose_lhs_hint = false} : vector<256x128xf8E4M3FN>, vector<256x128xf8E4M3FN>, vector<256x256xf32> -> vector<256x256xf32>
    %exp3A_327 = math.exp %dot_general3A_326 : vector<256x256xf32>
    %convert_element_type3A_328 = arith.truncf %exp3A_327 : vector<256x256xf32> to vector<256x256xf8E4M3FN>
    %slice3A_329 = vector.extract_strided_slice %reshape3A_42 {offsets = [0, 768], sizes = [256, 128], strides = [1, 1]} : vector<256x1024xf8E4M3FN> to vector<256x128xf8E4M3FN>
    %dot_general3A_330 = arith.constant dense<0.000000e+00> : vector<256x128xf32>
    %dot_general3A_331 = tpu.matmul %convert_element_type3A_328, %slice3A_329, %dot_general3A_330 {dimension_numbers = #tpu.dot_dimension_numbers<[1], [0], [0], [1], [0, 0, 1, 1], [], []>, transpose_lhs_hint = false} : vector<256x256xf8E4M3FN>, vector<256x128xf8E4M3FN>, vector<256x128xf32> -> vector<256x128xf32>
    %add3A_332 = arith.addf %add3A_323, %dot_general3A_331 : vector<256x128xf32>
    %slice3A_333 = vector.extract_strided_slice %add3A_332 {offsets = [0, 96], sizes = [256, 1], strides = [1, 1]} : vector<256x128xf32> to vector<256x1xf32>
    %div3A_334 = vector.broadcast %slice3A_333 : vector<256x1xf32> to vector<256x128xf32>
    %div3A_335 = arith.divf %add3A_332, %div3A_334 : vector<256x128xf32>
    %convert_element_type3A_336 = arith.truncf %div3A_335 : vector<256x128xf32> to vector<256x128xf8E4M3FN>
    %slice3A_337 = vector.extract_strided_slice %reshape3A {offsets = [0, 896], sizes = [256, 128], strides = [1, 1]} : vector<256x1024xf8E4M3FN> to vector<256x128xf8E4M3FN>
    %broadcast_in_dim3A_338 = arith.constant 0.000000e+00 : f32
    %broadcast_in_dim3A_339 = vector.broadcast %broadcast_in_dim3A_338 : f32 to vector<256x128xf32>
    %slice3A_340 = vector.extract_strided_slice %reshape3A_7 {offsets = [0, 896], sizes = [256, 128], strides = [1, 1]} : vector<256x1024xf8E4M3FN> to vector<256x128xf8E4M3FN>
    %dot_general3A_341 = arith.constant dense<0.000000e+00> : vector<256x256xf32>
    %dot_general3A_342 = tpu.matmul %slice3A_337, %slice3A_340, %dot_general3A_341 {dimension_numbers = #tpu.dot_dimension_numbers<[1], [1], [0], [0], [0, 0, 1, 0], [], []>, transpose_lhs_hint = false} : vector<256x128xf8E4M3FN>, vector<256x128xf8E4M3FN>, vector<256x256xf32> -> vector<256x256xf32>
    %exp3A_343 = math.exp %dot_general3A_342 : vector<256x256xf32>
    %convert_element_type3A_344 = arith.truncf %exp3A_343 : vector<256x256xf32> to vector<256x256xf8E4M3FN>
    %slice3A_345 = vector.extract_strided_slice %reshape3A_27 {offsets = [0, 896], sizes = [256, 128], strides = [1, 1]} : vector<256x1024xf8E4M3FN> to vector<256x128xf8E4M3FN>
    %dot_general3A_346 = arith.constant dense<0.000000e+00> : vector<256x128xf32>
    %dot_general3A_347 = tpu.matmul %convert_element_type3A_344, %slice3A_345, %dot_general3A_346 {dimension_numbers = #tpu.dot_dimension_numbers<[1], [0], [0], [1], [0, 0, 1, 1], [], []>, transpose_lhs_hint = false} : vector<256x256xf8E4M3FN>, vector<256x128xf8E4M3FN>, vector<256x128xf32> -> vector<256x128xf32>
    %add3A_348 = arith.addf %broadcast_in_dim3A_339, %dot_general3A_347 : vector<256x128xf32>
    %slice3A_349 = vector.extract_strided_slice %reshape3A_12 {offsets = [0, 896], sizes = [256, 128], strides = [1, 1]} : vector<256x1024xf8E4M3FN> to vector<256x128xf8E4M3FN>
    %dot_general3A_350 = arith.constant dense<0.000000e+00> : vector<256x256xf32>
    %dot_general3A_351 = tpu.matmul %slice3A_337, %slice3A_349, %dot_general3A_350 {dimension_numbers = #tpu.dot_dimension_numbers<[1], [1], [0], [0], [0, 0, 1, 0], [], []>, transpose_lhs_hint = false} : vector<256x128xf8E4M3FN>, vector<256x128xf8E4M3FN>, vector<256x256xf32> -> vector<256x256xf32>
    %exp3A_352 = math.exp %dot_general3A_351 : vector<256x256xf32>
    %convert_element_type3A_353 = arith.truncf %exp3A_352 : vector<256x256xf32> to vector<256x256xf8E4M3FN>
    %slice3A_354 = vector.extract_strided_slice %reshape3A_32 {offsets = [0, 896], sizes = [256, 128], strides = [1, 1]} : vector<256x1024xf8E4M3FN> to vector<256x128xf8E4M3FN>
    %dot_general3A_355 = arith.constant dense<0.000000e+00> : vector<256x128xf32>
    %dot_general3A_356 = tpu.matmul %convert_element_type3A_353, %slice3A_354, %dot_general3A_355 {dimension_numbers = #tpu.dot_dimension_numbers<[1], [0], [0], [1], [0, 0, 1, 1], [], []>, transpose_lhs_hint = false} : vector<256x256xf8E4M3FN>, vector<256x128xf8E4M3FN>, vector<256x128xf32> -> vector<256x128xf32>
    %add3A_357 = arith.addf %add3A_348, %dot_general3A_356 : vector<256x128xf32>
    %slice3A_358 = vector.extract_strided_slice %reshape3A_17 {offsets = [0, 896], sizes = [256, 128], strides = [1, 1]} : vector<256x1024xf8E4M3FN> to vector<256x128xf8E4M3FN>
    %dot_general3A_359 = arith.constant dense<0.000000e+00> : vector<256x256xf32>
    %dot_general3A_360 = tpu.matmul %slice3A_337, %slice3A_358, %dot_general3A_359 {dimension_numbers = #tpu.dot_dimension_numbers<[1], [1], [0], [0], [0, 0, 1, 0], [], []>, transpose_lhs_hint = false} : vector<256x128xf8E4M3FN>, vector<256x128xf8E4M3FN>, vector<256x256xf32> -> vector<256x256xf32>
    %exp3A_361 = math.exp %dot_general3A_360 : vector<256x256xf32>
    %convert_element_type3A_362 = arith.truncf %exp3A_361 : vector<256x256xf32> to vector<256x256xf8E4M3FN>
    %slice3A_363 = vector.extract_strided_slice %reshape3A_37 {offsets = [0, 896], sizes = [256, 128], strides = [1, 1]} : vector<256x1024xf8E4M3FN> to vector<256x128xf8E4M3FN>
    %dot_general3A_364 = arith.constant dense<0.000000e+00> : vector<256x128xf32>
    %dot_general3A_365 = tpu.matmul %convert_element_type3A_362, %slice3A_363, %dot_general3A_364 {dimension_numbers = #tpu.dot_dimension_numbers<[1], [0], [0], [1], [0, 0, 1, 1], [], []>, transpose_lhs_hint = false} : vector<256x256xf8E4M3FN>, vector<256x128xf8E4M3FN>, vector<256x128xf32> -> vector<256x128xf32>
    %add3A_366 = arith.addf %add3A_357, %dot_general3A_365 : vector<256x128xf32>
    %slice3A_367 = vector.extract_strided_slice %reshape3A_22 {offsets = [0, 896], sizes = [256, 128], strides = [1, 1]} : vector<256x1024xf8E4M3FN> to vector<256x128xf8E4M3FN>
    %dot_general3A_368 = arith.constant dense<0.000000e+00> : vector<256x256xf32>
    %dot_general3A_369 = tpu.matmul %slice3A_337, %slice3A_367, %dot_general3A_368 {dimension_numbers = #tpu.dot_dimension_numbers<[1], [1], [0], [0], [0, 0, 1, 0], [], []>, transpose_lhs_hint = false} : vector<256x128xf8E4M3FN>, vector<256x128xf8E4M3FN>, vector<256x256xf32> -> vector<256x256xf32>
    %exp3A_370 = math.exp %dot_general3A_369 : vector<256x256xf32>
    %convert_element_type3A_371 = arith.truncf %exp3A_370 : vector<256x256xf32> to vector<256x256xf8E4M3FN>
    %slice3A_372 = vector.extract_strided_slice %reshape3A_42 {offsets = [0, 896], sizes = [256, 128], strides = [1, 1]} : vector<256x1024xf8E4M3FN> to vector<256x128xf8E4M3FN>
    %dot_general3A_373 = arith.constant dense<0.000000e+00> : vector<256x128xf32>
    %dot_general3A_374 = tpu.matmul %convert_element_type3A_371, %slice3A_372, %dot_general3A_373 {dimension_numbers = #tpu.dot_dimension_numbers<[1], [0], [0], [1], [0, 0, 1, 1], [], []>, transpose_lhs_hint = false} : vector<256x256xf8E4M3FN>, vector<256x128xf8E4M3FN>, vector<256x128xf32> -> vector<256x128xf32>
    %add3A_375 = arith.addf %add3A_366, %dot_general3A_374 : vector<256x128xf32>
    %slice3A_376 = vector.extract_strided_slice %add3A_375 {offsets = [0, 96], sizes = [256, 1], strides = [1, 1]} : vector<256x128xf32> to vector<256x1xf32>
    %div3A_377 = vector.broadcast %slice3A_376 : vector<256x1xf32> to vector<256x128xf32>
    %div3A_378 = arith.divf %add3A_375, %div3A_377 : vector<256x128xf32>
    %convert_element_type3A_379 = arith.truncf %div3A_378 : vector<256x128xf32> to vector<256x128xf8E4M3FN>
    %concatenate3A = tpu.concatenate %convert_element_type3A_78, %convert_element_type3A_121, %convert_element_type3A_164, %convert_element_type3A_207, %convert_element_type3A_250, %convert_element_type3A_293, %convert_element_type3A_336, %convert_element_type3A_379 in 1 : vector<256x128xf8E4M3FN>, vector<256x128xf8E4M3FN>, vector<256x128xf8E4M3FN>, vector<256x128xf8E4M3FN>, vector<256x128xf8E4M3FN>, vector<256x128xf8E4M3FN>, vector<256x128xf8E4M3FN>, vector<256x128xf8E4M3FN> -> vector<256x1024xf8E4M3FN>
    %reshape3A_380 = vector.shape_cast %concatenate3A : vector<256x1024xf8E4M3FN> to vector<16x16x1024xf8E4M3FN>
    %swap3A = arith.constant 0 : index
    %swap3A_381 = arith.constant 0 : index
    %swap3A_382 = arith.constant 0 : index
    %swap3A_383 = vector.load %arg11[%swap3A, %swap3A_381, %swap3A_382] : memref<16x16x1024xf8E4M3FN, #tpu.memory_space<vmem>>, vector<16x16x1024xf8E4M3FN>
    tpu.vector_store %arg11[%swap3A, %swap3A_381, %swap3A_382], %reshape3A_380 {strides = array<i32>} : memref<16x16x1024xf8E4M3FN, #tpu.memory_space<vmem>>, vector<16x16x1024xf8E4M3FN>,
    return
  }
  func.func @transform_0(%arg0: i32, %arg1: memref<49x4xi32, #tpu.memory_space<smem>>) -> (i32, i32, i32) {
    %jit3A = arith.constant 7 : i32
    %div3A = arith.divsi %arg0, %jit3A : i32
    %sign3A = arith.constant 0 : i32
    %sign3A_0 = arith.cmpi sgt, %arg0, %sign3A : i32
    %sign3A_1 = arith.extui %sign3A_0 : i1 to i32
    %sign3A_2 = arith.constant 0 : i32
    %sign3A_3 = arith.cmpi slt, %arg0, %sign3A_2 : i32
    %sign3A_4 = arith.extui %sign3A_3 : i1 to i32
    %sign3A_5 = arith.subi %sign3A_1, %sign3A_4 : i32
    %sign3A_6 = arith.constant 0 : i32
    %sign3A_7 = arith.cmpi sgt, %jit3A, %sign3A_6 : i32
    %sign3A_8 = arith.extui %sign3A_7 : i1 to i32
    %sign3A_9 = arith.constant 0 : i32
    %sign3A_10 = arith.cmpi slt, %jit3A, %sign3A_9 : i32
    %sign3A_11 = arith.extui %sign3A_10 : i1 to i32
    %sign3A_12 = arith.subi %sign3A_8, %sign3A_11 : i32
    %ne3A = arith.cmpi ne, %sign3A_5, %sign3A_12 : i32
    %rem3A = arith.remsi %arg0, %jit3A : i32
    %ne3A_13 = arith.constant 0 : i32
    %ne3A_14 = arith.cmpi ne, %rem3A, %ne3A_13 : i32
    %and3A = arith.andi %ne3A, %ne3A_14 : i1
    %sub3A = arith.constant 1 : i32
    %sub3A_15 = arith.subi %div3A, %sub3A : i32
    %select_n3A = arith.select %and3A, %sub3A_15, %div3A : i32
    %jit3A_16 = arith.constant 7 : i32
    %eq3A = arith.constant 0 : i32
    %eq3A_17 = arith.cmpi eq, %jit3A_16, %eq3A : i32
    %jit3A_18 = arith.constant 1 : i32
    %select_n3A_19 = arith.select %eq3A_17, %jit3A_18, %jit3A_16 : i32
    %rem3A_20 = arith.remsi %arg0, %select_n3A_19 : i32
    %ne3A_21 = arith.constant 0 : i32
    %ne3A_22 = arith.cmpi ne, %rem3A_20, %ne3A_21 : i32
    %lt3A = arith.constant 0 : i32
    %lt3A_23 = arith.cmpi slt, %rem3A_20, %lt3A : i32
    %lt3A_24 = arith.constant 0 : i32
    %lt3A_25 = arith.cmpi slt, %select_n3A_19, %lt3A_24 : i32
    %ne3A_26 = arith.xori %lt3A_23, %lt3A_25 : i1
    %and3A_27 = arith.andi %ne3A_26, %ne3A_22 : i1
    %add3A = arith.addi %rem3A_20, %select_n3A_19 : i32
    %select_n3A_28 = arith.select %and3A_27, %add3A, %rem3A_20 : i32
    %c0_i32 = arith.constant 0 : i32
    %c0_i32_29 = arith.constant 0 : i32
    return %select_n3A, %select_n3A_28, %c0_i32 : i32, i32, i32
  }
  func.func @transform_1(%arg0: i32, %arg1: memref<49x4xi32, #tpu.memory_space<smem>>) -> (i32, i32, i32) {
    %get3A = arith.index_cast %arg0 : i32 to index
    %get3A_0 = arith.constant 0 : index
    %get3A_1 = memref.load %arg1[%get3A, %get3A_0] : memref<49x4xi32, #tpu.memory_space<smem>>
    %jit3A = arith.constant 7 : i32
    %div3A = arith.divsi %get3A_1, %jit3A : i32
    %sign3A = arith.constant 0 : i32
    %sign3A_2 = arith.cmpi sgt, %get3A_1, %sign3A : i32
    %sign3A_3 = arith.extui %sign3A_2 : i1 to i32
    %sign3A_4 = arith.constant 0 : i32
    %sign3A_5 = arith.cmpi slt, %get3A_1, %sign3A_4 : i32
    %sign3A_6 = arith.extui %sign3A_5 : i1 to i32
    %sign3A_7 = arith.subi %sign3A_3, %sign3A_6 : i32
    %sign3A_8 = arith.constant 0 : i32
    %sign3A_9 = arith.cmpi sgt, %jit3A, %sign3A_8 : i32
    %sign3A_10 = arith.extui %sign3A_9 : i1 to i32
    %sign3A_11 = arith.constant 0 : i32
    %sign3A_12 = arith.cmpi slt, %jit3A, %sign3A_11 : i32
    %sign3A_13 = arith.extui %sign3A_12 : i1 to i32
    %sign3A_14 = arith.subi %sign3A_10, %sign3A_13 : i32
    %ne3A = arith.cmpi ne, %sign3A_7, %sign3A_14 : i32
    %rem3A = arith.remsi %get3A_1, %jit3A : i32
    %ne3A_15 = arith.constant 0 : i32
    %ne3A_16 = arith.cmpi ne, %rem3A, %ne3A_15 : i32
    %and3A = arith.andi %ne3A, %ne3A_16 : i1
    %sub3A = arith.constant 1 : i32
    %sub3A_17 = arith.subi %div3A, %sub3A : i32
    %select_n3A = arith.select %and3A, %sub3A_17, %div3A : i32
    %get3A_18 = arith.index_cast %arg0 : i32 to index
    %get3A_19 = arith.constant 0 : index
    %get3A_20 = memref.load %arg1[%get3A_18, %get3A_19] : memref<49x4xi32, #tpu.memory_space<smem>>
    %jit3A_21 = arith.constant 7 : i32
    %eq3A = arith.constant 0 : i32
    %eq3A_22 = arith.cmpi eq, %jit3A_21, %eq3A : i32
    %jit3A_23 = arith.constant 1 : i32
    %select_n3A_24 = arith.select %eq3A_22, %jit3A_23, %jit3A_21 : i32
    %rem3A_25 = arith.remsi %get3A_20, %select_n3A_24 : i32
    %ne3A_26 = arith.constant 0 : i32
    %ne3A_27 = arith.cmpi ne, %rem3A_25, %ne3A_26 : i32
    %lt3A = arith.constant 0 : i32
    %lt3A_28 = arith.cmpi slt, %rem3A_25, %lt3A : i32
    %lt3A_29 = arith.constant 0 : i32
    %lt3A_30 = arith.cmpi slt, %select_n3A_24, %lt3A_29 : i32
    %ne3A_31 = arith.xori %lt3A_28, %lt3A_30 : i1
    %and3A_32 = arith.andi %ne3A_31, %ne3A_27 : i1
    %add3A = arith.addi %rem3A_25, %select_n3A_24 : i32
    %select_n3A_33 = arith.select %and3A_32, %add3A, %rem3A_25 : i32
    %c1_i32 = arith.constant 1 : i32
    %c0_i32 = arith.constant 0 : i32
    return %select_n3A, %select_n3A_33, %c1_i32 : i32, i32, i32
  }
  func.func @transform_2(%arg0: i32, %arg1: memref<49x4xi32, #tpu.memory_space<smem>>) -> (i32, i32, i32) {
    %get3A = arith.index_cast %arg0 : i32 to index
    %get3A_0 = arith.constant 1 : index
    %get3A_1 = memref.load %arg1[%get3A, %get3A_0] : memref<49x4xi32, #tpu.memory_space<smem>>
    %jit3A = arith.constant 7 : i32
    %div3A = arith.divsi %get3A_1, %jit3A : i32
    %sign3A = arith.constant 0 : i32
    %sign3A_2 = arith.cmpi sgt, %get3A_1, %sign3A : i32
    %sign3A_3 = arith.extui %sign3A_2 : i1 to i32
    %sign3A_4 = arith.constant 0 : i32
    %sign3A_5 = arith.cmpi slt, %get3A_1, %sign3A_4 : i32
    %sign3A_6 = arith.extui %sign3A_5 : i1 to i32
    %sign3A_7 = arith.subi %sign3A_3, %sign3A_6 : i32
    %sign3A_8 = arith.constant 0 : i32
    %sign3A_9 = arith.cmpi sgt, %jit3A, %sign3A_8 : i32
    %sign3A_10 = arith.extui %sign3A_9 : i1 to i32
    %sign3A_11 = arith.constant 0 : i32
    %sign3A_12 = arith.cmpi slt, %jit3A, %sign3A_11 : i32
    %sign3A_13 = arith.extui %sign3A_12 : i1 to i32
    %sign3A_14 = arith.subi %sign3A_10, %sign3A_13 : i32
    %ne3A = arith.cmpi ne, %sign3A_7, %sign3A_14 : i32
    %rem3A = arith.remsi %get3A_1, %jit3A : i32
    %ne3A_15 = arith.constant 0 : i32
    %ne3A_16 = arith.cmpi ne, %rem3A, %ne3A_15 : i32
    %and3A = arith.andi %ne3A, %ne3A_16 : i1
    %sub3A = arith.constant 1 : i32
    %sub3A_17 = arith.subi %div3A, %sub3A : i32
    %select_n3A = arith.select %and3A, %sub3A_17, %div3A : i32
    %get3A_18 = arith.index_cast %arg0 : i32 to index
    %get3A_19 = arith.constant 1 : index
    %get3A_20 = memref.load %arg1[%get3A_18, %get3A_19] : memref<49x4xi32, #tpu.memory_space<smem>>
    %jit3A_21 = arith.constant 7 : i32
    %eq3A = arith.constant 0 : i32
    %eq3A_22 = arith.cmpi eq, %jit3A_21, %eq3A : i32
    %jit3A_23 = arith.constant 1 : i32
    %select_n3A_24 = arith.select %eq3A_22, %jit3A_23, %jit3A_21 : i32
    %rem3A_25 = arith.remsi %get3A_20, %select_n3A_24 : i32
    %ne3A_26 = arith.constant 0 : i32
    %ne3A_27 = arith.cmpi ne, %rem3A_25, %ne3A_26 : i32
    %lt3A = arith.constant 0 : i32
    %lt3A_28 = arith.cmpi slt, %rem3A_25, %lt3A : i32
    %lt3A_29 = arith.constant 0 : i32
    %lt3A_30 = arith.cmpi slt, %select_n3A_24, %lt3A_29 : i32
    %ne3A_31 = arith.xori %lt3A_28, %lt3A_30 : i1
    %and3A_32 = arith.andi %ne3A_31, %ne3A_27 : i1
    %add3A = arith.addi %rem3A_25, %select_n3A_24 : i32
    %select_n3A_33 = arith.select %and3A_32, %add3A, %rem3A_25 : i32
    %c1_i32 = arith.constant 1 : i32
    %c0_i32 = arith.constant 0 : i32
    return %select_n3A, %select_n3A_33, %c1_i32 : i32, i32, i32
  }
  func.func @transform_3(%arg0: i32, %arg1: memref<49x4xi32, #tpu.memory_space<smem>>) -> (i32, i32, i32) {
    %get3A = arith.index_cast %arg0 : i32 to index
    %get3A_0 = arith.constant 2 : index
    %get3A_1 = memref.load %arg1[%get3A, %get3A_0] : memref<49x4xi32, #tpu.memory_space<smem>>
    %jit3A = arith.constant 7 : i32
    %div3A = arith.divsi %get3A_1, %jit3A : i32
    %sign3A = arith.constant 0 : i32
    %sign3A_2 = arith.cmpi sgt, %get3A_1, %sign3A : i32
    %sign3A_3 = arith.extui %sign3A_2 : i1 to i32
    %sign3A_4 = arith.constant 0 : i32
    %sign3A_5 = arith.cmpi slt, %get3A_1, %sign3A_4 : i32
    %sign3A_6 = arith.extui %sign3A_5 : i1 to i32
    %sign3A_7 = arith.subi %sign3A_3, %sign3A_6 : i32
    %sign3A_8 = arith.constant 0 : i32
    %sign3A_9 = arith.cmpi sgt, %jit3A, %sign3A_8 : i32
    %sign3A_10 = arith.extui %sign3A_9 : i1 to i32
    %sign3A_11 = arith.constant 0 : i32
    %sign3A_12 = arith.cmpi slt, %jit3A, %sign3A_11 : i32
    %sign3A_13 = arith.extui %sign3A_12 : i1 to i32
    %sign3A_14 = arith.subi %sign3A_10, %sign3A_13 : i32
    %ne3A = arith.cmpi ne, %sign3A_7, %sign3A_14 : i32
    %rem3A = arith.remsi %get3A_1, %jit3A : i32
    %ne3A_15 = arith.constant 0 : i32
    %ne3A_16 = arith.cmpi ne, %rem3A, %ne3A_15 : i32
    %and3A = arith.andi %ne3A, %ne3A_16 : i1
    %sub3A = arith.constant 1 : i32
    %sub3A_17 = arith.subi %div3A, %sub3A : i32
    %select_n3A = arith.select %and3A, %sub3A_17, %div3A : i32
    %get3A_18 = arith.index_cast %arg0 : i32 to index
    %get3A_19 = arith.constant 2 : index
    %get3A_20 = memref.load %arg1[%get3A_18, %get3A_19] : memref<49x4xi32, #tpu.memory_space<smem>>
    %jit3A_21 = arith.constant 7 : i32
    %eq3A = arith.constant 0 : i32
    %eq3A_22 = arith.cmpi eq, %jit3A_21, %eq3A : i32
    %jit3A_23 = arith.constant 1 : i32
    %select_n3A_24 = arith.select %eq3A_22, %jit3A_23, %jit3A_21 : i32
    %rem3A_25 = arith.remsi %get3A_20, %select_n3A_24 : i32
    %ne3A_26 = arith.constant 0 : i32
    %ne3A_27 = arith.cmpi ne, %rem3A_25, %ne3A_26 : i32
    %lt3A = arith.constant 0 : i32
    %lt3A_28 = arith.cmpi slt, %rem3A_25, %lt3A : i32
    %lt3A_29 = arith.constant 0 : i32
    %lt3A_30 = arith.cmpi slt, %select_n3A_24, %lt3A_29 : i32
    %ne3A_31 = arith.xori %lt3A_28, %lt3A_30 : i1
    %and3A_32 = arith.andi %ne3A_31, %ne3A_27 : i1
    %add3A = arith.addi %rem3A_25, %select_n3A_24 : i32
    %select_n3A_33 = arith.select %and3A_32, %add3A, %rem3A_25 : i32
    %c1_i32 = arith.constant 1 : i32
    %c0_i32 = arith.constant 0 : i32
    return %select_n3A, %select_n3A_33, %c1_i32 : i32, i32, i32
  }
  func.func @transform_4(%arg0: i32, %arg1: memref<49x4xi32, #tpu.memory_space<smem>>) -> (i32, i32, i32) {
    %get3A = arith.index_cast %arg0 : i32 to index
    %get3A_0 = arith.constant 3 : index
    %get3A_1 = memref.load %arg1[%get3A, %get3A_0] : memref<49x4xi32, #tpu.memory_space<smem>>
    %jit3A = arith.constant 7 : i32
    %div3A = arith.divsi %get3A_1, %jit3A : i32
    %sign3A = arith.constant 0 : i32
    %sign3A_2 = arith.cmpi sgt, %get3A_1, %sign3A : i32
    %sign3A_3 = arith.extui %sign3A_2 : i1 to i32
    %sign3A_4 = arith.constant 0 : i32
    %sign3A_5 = arith.cmpi slt, %get3A_1, %sign3A_4 : i32
    %sign3A_6 = arith.extui %sign3A_5 : i1 to i32
    %sign3A_7 = arith.subi %sign3A_3, %sign3A_6 : i32
    %sign3A_8 = arith.constant 0 : i32
    %sign3A_9 = arith.cmpi sgt, %jit3A, %sign3A_8 : i32
    %sign3A_10 = arith.extui %sign3A_9 : i1 to i32
    %sign3A_11 = arith.constant 0 : i32
    %sign3A_12 = arith.cmpi slt, %jit3A, %sign3A_11 : i32
    %sign3A_13 = arith.extui %sign3A_12 : i1 to i32
    %sign3A_14 = arith.subi %sign3A_10, %sign3A_13 : i32
    %ne3A = arith.cmpi ne, %sign3A_7, %sign3A_14 : i32
    %rem3A = arith.remsi %get3A_1, %jit3A : i32
    %ne3A_15 = arith.constant 0 : i32
    %ne3A_16 = arith.cmpi ne, %rem3A, %ne3A_15 : i32
    %and3A = arith.andi %ne3A, %ne3A_16 : i1
    %sub3A = arith.constant 1 : i32
    %sub3A_17 = arith.subi %div3A, %sub3A : i32
    %select_n3A = arith.select %and3A, %sub3A_17, %div3A : i32
    %get3A_18 = arith.index_cast %arg0 : i32 to index
    %get3A_19 = arith.constant 3 : index
    %get3A_20 = memref.load %arg1[%get3A_18, %get3A_19] : memref<49x4xi32, #tpu.memory_space<smem>>
    %jit3A_21 = arith.constant 7 : i32
    %eq3A = arith.constant 0 : i32
    %eq3A_22 = arith.cmpi eq, %jit3A_21, %eq3A : i32
    %jit3A_23 = arith.constant 1 : i32
    %select_n3A_24 = arith.select %eq3A_22, %jit3A_23, %jit3A_21 : i32
    %rem3A_25 = arith.remsi %get3A_20, %select_n3A_24 : i32
    %ne3A_26 = arith.constant 0 : i32
    %ne3A_27 = arith.cmpi ne, %rem3A_25, %ne3A_26 : i32
    %lt3A = arith.constant 0 : i32
    %lt3A_28 = arith.cmpi slt, %rem3A_25, %lt3A : i32
    %lt3A_29 = arith.constant 0 : i32
    %lt3A_30 = arith.cmpi slt, %select_n3A_24, %lt3A_29 : i32
    %ne3A_31 = arith.xori %lt3A_28, %lt3A_30 : i1
    %and3A_32 = arith.andi %ne3A_31, %ne3A_27 : i1
    %add3A = arith.addi %rem3A_25, %select_n3A_24 : i32
    %select_n3A_33 = arith.select %and3A_32, %add3A, %rem3A_25 : i32
    %c1_i32 = arith.constant 1 : i32
    %c0_i32 = arith.constant 0 : i32
    return %select_n3A, %select_n3A_33, %c1_i32 : i32, i32, i32
  }
  func.func @transform_5(%arg0: i32, %arg1: memref<49x4xi32, #tpu.memory_space<smem>>) -> (i32, i32, i32) {
    %get3A = arith.index_cast %arg0 : i32 to index
    %get3A_0 = arith.constant 0 : index
    %get3A_1 = memref.load %arg1[%get3A, %get3A_0] : memref<49x4xi32, #tpu.memory_space<smem>>
    %jit3A = arith.constant 7 : i32
    %div3A = arith.divsi %get3A_1, %jit3A : i32
    %sign3A = arith.constant 0 : i32
    %sign3A_2 = arith.cmpi sgt, %get3A_1, %sign3A : i32
    %sign3A_3 = arith.extui %sign3A_2 : i1 to i32
    %sign3A_4 = arith.constant 0 : i32
    %sign3A_5 = arith.cmpi slt, %get3A_1, %sign3A_4 : i32
    %sign3A_6 = arith.extui %sign3A_5 : i1 to i32
    %sign3A_7 = arith.subi %sign3A_3, %sign3A_6 : i32
    %sign3A_8 = arith.constant 0 : i32
    %sign3A_9 = arith.cmpi sgt, %jit3A, %sign3A_8 : i32
    %sign3A_10 = arith.extui %sign3A_9 : i1 to i32
    %sign3A_11 = arith.constant 0 : i32
    %sign3A_12 = arith.cmpi slt, %jit3A, %sign3A_11 : i32
    %sign3A_13 = arith.extui %sign3A_12 : i1 to i32
    %sign3A_14 = arith.subi %sign3A_10, %sign3A_13 : i32
    %ne3A = arith.cmpi ne, %sign3A_7, %sign3A_14 : i32
    %rem3A = arith.remsi %get3A_1, %jit3A : i32
    %ne3A_15 = arith.constant 0 : i32
    %ne3A_16 = arith.cmpi ne, %rem3A, %ne3A_15 : i32
    %and3A = arith.andi %ne3A, %ne3A_16 : i1
    %sub3A = arith.constant 1 : i32
    %sub3A_17 = arith.subi %div3A, %sub3A : i32
    %select_n3A = arith.select %and3A, %sub3A_17, %div3A : i32
    %get3A_18 = arith.index_cast %arg0 : i32 to index
    %get3A_19 = arith.constant 0 : index
    %get3A_20 = memref.load %arg1[%get3A_18, %get3A_19] : memref<49x4xi32, #tpu.memory_space<smem>>
    %jit3A_21 = arith.constant 7 : i32
    %eq3A = arith.constant 0 : i32
    %eq3A_22 = arith.cmpi eq, %jit3A_21, %eq3A : i32
    %jit3A_23 = arith.constant 1 : i32
    %select_n3A_24 = arith.select %eq3A_22, %jit3A_23, %jit3A_21 : i32
    %rem3A_25 = arith.remsi %get3A_20, %select_n3A_24 : i32
    %ne3A_26 = arith.constant 0 : i32
    %ne3A_27 = arith.cmpi ne, %rem3A_25, %ne3A_26 : i32
    %lt3A = arith.constant 0 : i32
    %lt3A_28 = arith.cmpi slt, %rem3A_25, %lt3A : i32
    %lt3A_29 = arith.constant 0 : i32
    %lt3A_30 = arith.cmpi slt, %select_n3A_24, %lt3A_29 : i32
    %ne3A_31 = arith.xori %lt3A_28, %lt3A_30 : i1
    %and3A_32 = arith.andi %ne3A_31, %ne3A_27 : i1
    %add3A = arith.addi %rem3A_25, %select_n3A_24 : i32
    %select_n3A_33 = arith.select %and3A_32, %add3A, %rem3A_25 : i32
    %c0_i32 = arith.constant 0 : i32
    %c0_i32_34 = arith.constant 0 : i32
    return %select_n3A, %select_n3A_33, %c0_i32 : i32, i32, i32
  }
  func.func @transform_6(%arg0: i32, %arg1: memref<49x4xi32, #tpu.memory_space<smem>>) -> (i32, i32, i32) {
    %get3A = arith.index_cast %arg0 : i32 to index
    %get3A_0 = arith.constant 1 : index
    %get3A_1 = memref.load %arg1[%get3A, %get3A_0] : memref<49x4xi32, #tpu.memory_space<smem>>
    %jit3A = arith.constant 7 : i32
    %div3A = arith.divsi %get3A_1, %jit3A : i32
    %sign3A = arith.constant 0 : i32
    %sign3A_2 = arith.cmpi sgt, %get3A_1, %sign3A : i32
    %sign3A_3 = arith.extui %sign3A_2 : i1 to i32
    %sign3A_4 = arith.constant 0 : i32
    %sign3A_5 = arith.cmpi slt, %get3A_1, %sign3A_4 : i32
    %sign3A_6 = arith.extui %sign3A_5 : i1 to i32
    %sign3A_7 = arith.subi %sign3A_3, %sign3A_6 : i32
    %sign3A_8 = arith.constant 0 : i32
    %sign3A_9 = arith.cmpi sgt, %jit3A, %sign3A_8 : i32
    %sign3A_10 = arith.extui %sign3A_9 : i1 to i32
    %sign3A_11 = arith.constant 0 : i32
    %sign3A_12 = arith.cmpi slt, %jit3A, %sign3A_11 : i32
    %sign3A_13 = arith.extui %sign3A_12 : i1 to i32
    %sign3A_14 = arith.subi %sign3A_10, %sign3A_13 : i32
    %ne3A = arith.cmpi ne, %sign3A_7, %sign3A_14 : i32
    %rem3A = arith.remsi %get3A_1, %jit3A : i32
    %ne3A_15 = arith.constant 0 : i32
    %ne3A_16 = arith.cmpi ne, %rem3A, %ne3A_15 : i32
    %and3A = arith.andi %ne3A, %ne3A_16 : i1
    %sub3A = arith.constant 1 : i32
    %sub3A_17 = arith.subi %div3A, %sub3A : i32
    %select_n3A = arith.select %and3A, %sub3A_17, %div3A : i32
    %get3A_18 = arith.index_cast %arg0 : i32 to index
    %get3A_19 = arith.constant 1 : index
    %get3A_20 = memref.load %arg1[%get3A_18, %get3A_19] : memref<49x4xi32, #tpu.memory_space<smem>>
    %jit3A_21 = arith.constant 7 : i32
    %eq3A = arith.constant 0 : i32
    %eq3A_22 = arith.cmpi eq, %jit3A_21, %eq3A : i32
    %jit3A_23 = arith.constant 1 : i32
    %select_n3A_24 = arith.select %eq3A_22, %jit3A_23, %jit3A_21 : i32
    %rem3A_25 = arith.remsi %get3A_20, %select_n3A_24 : i32
    %ne3A_26 = arith.constant 0 : i32
    %ne3A_27 = arith.cmpi ne, %rem3A_25, %ne3A_26 : i32
    %lt3A = arith.constant 0 : i32
    %lt3A_28 = arith.cmpi slt, %rem3A_25, %lt3A : i32
    %lt3A_29 = arith.constant 0 : i32
    %lt3A_30 = arith.cmpi slt, %select_n3A_24, %lt3A_29 : i32
    %ne3A_31 = arith.xori %lt3A_28, %lt3A_30 : i1
    %and3A_32 = arith.andi %ne3A_31, %ne3A_27 : i1
    %add3A = arith.addi %rem3A_25, %select_n3A_24 : i32
    %select_n3A_33 = arith.select %and3A_32, %add3A, %rem3A_25 : i32
    %c0_i32 = arith.constant 0 : i32
    %c0_i32_34 = arith.constant 0 : i32
    return %select_n3A, %select_n3A_33, %c0_i32 : i32, i32, i32
  }
  func.func @transform_7(%arg0: i32, %arg1: memref<49x4xi32, #tpu.memory_space<smem>>) -> (i32, i32, i32) {
    %get3A = arith.index_cast %arg0 : i32 to index
    %get3A_0 = arith.constant 2 : index
    %get3A_1 = memref.load %arg1[%get3A, %get3A_0] : memref<49x4xi32, #tpu.memory_space<smem>>
    %jit3A = arith.constant 7 : i32
    %div3A = arith.divsi %get3A_1, %jit3A : i32
    %sign3A = arith.constant 0 : i32
    %sign3A_2 = arith.cmpi sgt, %get3A_1, %sign3A : i32
    %sign3A_3 = arith.extui %sign3A_2 : i1 to i32
    %sign3A_4 = arith.constant 0 : i32
    %sign3A_5 = arith.cmpi slt, %get3A_1, %sign3A_4 : i32
    %sign3A_6 = arith.extui %sign3A_5 : i1 to i32
    %sign3A_7 = arith.subi %sign3A_3, %sign3A_6 : i32
    %sign3A_8 = arith.constant 0 : i32
    %sign3A_9 = arith.cmpi sgt, %jit3A, %sign3A_8 : i32
    %sign3A_10 = arith.extui %sign3A_9 : i1 to i32
    %sign3A_11 = arith.constant 0 : i32
    %sign3A_12 = arith.cmpi slt, %jit3A, %sign3A_11 : i32
    %sign3A_13 = arith.extui %sign3A_12 : i1 to i32
    %sign3A_14 = arith.subi %sign3A_10, %sign3A_13 : i32
    %ne3A = arith.cmpi ne, %sign3A_7, %sign3A_14 : i32
    %rem3A = arith.remsi %get3A_1, %jit3A : i32
    %ne3A_15 = arith.constant 0 : i32
    %ne3A_16 = arith.cmpi ne, %rem3A, %ne3A_15 : i32
    %and3A = arith.andi %ne3A, %ne3A_16 : i1
    %sub3A = arith.constant 1 : i32
    %sub3A_17 = arith.subi %div3A, %sub3A : i32
    %select_n3A = arith.select %and3A, %sub3A_17, %div3A : i32
    %get3A_18 = arith.index_cast %arg0 : i32 to index
    %get3A_19 = arith.constant 2 : index
    %get3A_20 = memref.load %arg1[%get3A_18, %get3A_19] : memref<49x4xi32, #tpu.memory_space<smem>>
    %jit3A_21 = arith.constant 7 : i32
    %eq3A = arith.constant 0 : i32
    %eq3A_22 = arith.cmpi eq, %jit3A_21, %eq3A : i32
    %jit3A_23 = arith.constant 1 : i32
    %select_n3A_24 = arith.select %eq3A_22, %jit3A_23, %jit3A_21 : i32
    %rem3A_25 = arith.remsi %get3A_20, %select_n3A_24 : i32
    %ne3A_26 = arith.constant 0 : i32
    %ne3A_27 = arith.cmpi ne, %rem3A_25, %ne3A_26 : i32
    %lt3A = arith.constant 0 : i32
    %lt3A_28 = arith.cmpi slt, %rem3A_25, %lt3A : i32
    %lt3A_29 = arith.constant 0 : i32
    %lt3A_30 = arith.cmpi slt, %select_n3A_24, %lt3A_29 : i32
    %ne3A_31 = arith.xori %lt3A_28, %lt3A_30 : i1
    %and3A_32 = arith.andi %ne3A_31, %ne3A_27 : i1
    %add3A = arith.addi %rem3A_25, %select_n3A_24 : i32
    %select_n3A_33 = arith.select %and3A_32, %add3A, %rem3A_25 : i32
    %c0_i32 = arith.constant 0 : i32
    %c0_i32_34 = arith.constant 0 : i32
    return %select_n3A, %select_n3A_33, %c0_i32 : i32, i32, i32
  }
  func.func @transform_8(%arg0: i32, %arg1: memref<49x4xi32, #tpu.memory_space<smem>>) -> (i32, i32, i32) {
    %get3A = arith.index_cast %arg0 : i32 to index
    %get3A_0 = arith.constant 3 : index
    %get3A_1 = memref.load %arg1[%get3A, %get3A_0] : memref<49x4xi32, #tpu.memory_space<smem>>
    %jit3A = arith.constant 7 : i32
    %div3A = arith.divsi %get3A_1, %jit3A : i32
    %sign3A = arith.constant 0 : i32
    %sign3A_2 = arith.cmpi sgt, %get3A_1, %sign3A : i32
    %sign3A_3 = arith.extui %sign3A_2 : i1 to i32
    %sign3A_4 = arith.constant 0 : i32
    %sign3A_5 = arith.cmpi slt, %get3A_1, %sign3A_4 : i32
    %sign3A_6 = arith.extui %sign3A_5 : i1 to i32
    %sign3A_7 = arith.subi %sign3A_3, %sign3A_6 : i32
    %sign3A_8 = arith.constant 0 : i32
    %sign3A_9 = arith.cmpi sgt, %jit3A, %sign3A_8 : i32
    %sign3A_10 = arith.extui %sign3A_9 : i1 to i32
    %sign3A_11 = arith.constant 0 : i32
    %sign3A_12 = arith.cmpi slt, %jit3A, %sign3A_11 : i32
    %sign3A_13 = arith.extui %sign3A_12 : i1 to i32
    %sign3A_14 = arith.subi %sign3A_10, %sign3A_13 : i32
    %ne3A = arith.cmpi ne, %sign3A_7, %sign3A_14 : i32
    %rem3A = arith.remsi %get3A_1, %jit3A : i32
    %ne3A_15 = arith.constant 0 : i32
    %ne3A_16 = arith.cmpi ne, %rem3A, %ne3A_15 : i32
    %and3A = arith.andi %ne3A, %ne3A_16 : i1
    %sub3A = arith.constant 1 : i32
    %sub3A_17 = arith.subi %div3A, %sub3A : i32
    %select_n3A = arith.select %and3A, %sub3A_17, %div3A : i32
    %get3A_18 = arith.index_cast %arg0 : i32 to index
    %get3A_19 = arith.constant 3 : index
    %get3A_20 = memref.load %arg1[%get3A_18, %get3A_19] : memref<49x4xi32, #tpu.memory_space<smem>>
    %jit3A_21 = arith.constant 7 : i32
    %eq3A = arith.constant 0 : i32
    %eq3A_22 = arith.cmpi eq, %jit3A_21, %eq3A : i32
    %jit3A_23 = arith.constant 1 : i32
    %select_n3A_24 = arith.select %eq3A_22, %jit3A_23, %jit3A_21 : i32
    %rem3A_25 = arith.remsi %get3A_20, %select_n3A_24 : i32
    %ne3A_26 = arith.constant 0 : i32
    %ne3A_27 = arith.cmpi ne, %rem3A_25, %ne3A_26 : i32
    %lt3A = arith.constant 0 : i32
    %lt3A_28 = arith.cmpi slt, %rem3A_25, %lt3A : i32
    %lt3A_29 = arith.constant 0 : i32
    %lt3A_30 = arith.cmpi slt, %select_n3A_24, %lt3A_29 : i32
    %ne3A_31 = arith.xori %lt3A_28, %lt3A_30 : i1
    %and3A_32 = arith.andi %ne3A_31, %ne3A_27 : i1
    %add3A = arith.addi %rem3A_25, %select_n3A_24 : i32
    %select_n3A_33 = arith.select %and3A_32, %add3A, %rem3A_25 : i32
    %c0_i32 = arith.constant 0 : i32
    %c0_i32_34 = arith.constant 0 : i32
    return %select_n3A, %select_n3A_33, %c0_i32 : i32, i32, i32
  }
  func.func @transform_9(%arg0: i32, %arg1: memref<49x4xi32, #tpu.memory_space<smem>>) -> (i32, i32, i32) {
    %jit3A = arith.constant 7 : i32
    %div3A = arith.divsi %arg0, %jit3A : i32
    %sign3A = arith.constant 0 : i32
    %sign3A_0 = arith.cmpi sgt, %arg0, %sign3A : i32
    %sign3A_1 = arith.extui %sign3A_0 : i1 to i32
    %sign3A_2 = arith.constant 0 : i32
    %sign3A_3 = arith.cmpi slt, %arg0, %sign3A_2 : i32
    %sign3A_4 = arith.extui %sign3A_3 : i1 to i32
    %sign3A_5 = arith.subi %sign3A_1, %sign3A_4 : i32
    %sign3A_6 = arith.constant 0 : i32
    %sign3A_7 = arith.cmpi sgt, %jit3A, %sign3A_6 : i32
    %sign3A_8 = arith.extui %sign3A_7 : i1 to i32
    %sign3A_9 = arith.constant 0 : i32
    %sign3A_10 = arith.cmpi slt, %jit3A, %sign3A_9 : i32
    %sign3A_11 = arith.extui %sign3A_10 : i1 to i32
    %sign3A_12 = arith.subi %sign3A_8, %sign3A_11 : i32
    %ne3A = arith.cmpi ne, %sign3A_5, %sign3A_12 : i32
    %rem3A = arith.remsi %arg0, %jit3A : i32
    %ne3A_13 = arith.constant 0 : i32
    %ne3A_14 = arith.cmpi ne, %rem3A, %ne3A_13 : i32
    %and3A = arith.andi %ne3A, %ne3A_14 : i1
    %sub3A = arith.constant 1 : i32
    %sub3A_15 = arith.subi %div3A, %sub3A : i32
    %select_n3A = arith.select %and3A, %sub3A_15, %div3A : i32
    %jit3A_16 = arith.constant 7 : i32
    %eq3A = arith.constant 0 : i32
    %eq3A_17 = arith.cmpi eq, %jit3A_16, %eq3A : i32
    %jit3A_18 = arith.constant 1 : i32
    %select_n3A_19 = arith.select %eq3A_17, %jit3A_18, %jit3A_16 : i32
    %rem3A_20 = arith.remsi %arg0, %select_n3A_19 : i32
    %ne3A_21 = arith.constant 0 : i32
    %ne3A_22 = arith.cmpi ne, %rem3A_20, %ne3A_21 : i32
    %lt3A = arith.constant 0 : i32
    %lt3A_23 = arith.cmpi slt, %rem3A_20, %lt3A : i32
    %lt3A_24 = arith.constant 0 : i32
    %lt3A_25 = arith.cmpi slt, %select_n3A_19, %lt3A_24 : i32
    %ne3A_26 = arith.xori %lt3A_23, %lt3A_25 : i1
    %and3A_27 = arith.andi %ne3A_26, %ne3A_22 : i1
    %add3A = arith.addi %rem3A_20, %select_n3A_19 : i32
    %select_n3A_28 = arith.select %and3A_27, %add3A, %rem3A_20 : i32
    %c0_i32 = arith.constant 0 : i32
    %c0_i32_29 = arith.constant 0 : i32
    return %select_n3A, %select_n3A_28, %c0_i32 : i32, i32, i32
  }
}

</mosaic_0001>

<sc_bundles>
// kernel: kernel.8.cloned.1.call-start
scs
__scs_entry_jumppad:
0x0: {  	(pc) =	sbr.rel $0x88, $3  }
0x1: {  	(tag) =	ssettag $0x0;
	lr =	simm.s32 $0x1  }
0x2: {  	[smem:$0x3F96] =	sst lr;
	_ =	strace $0xD0000000  }
0x3: {  	_ = 	snop  }
0x4: {  	_ = 	snop  }
0x5: {  	_ = 	snop  }
0x6: {  	_ = 	snop  }
0x7: {  	_ = 	snop  }
__scs_overlays_trampoline_lowered:
0x8: {  	[smem:$0x3FA5] =	sst s0  }
0x9: {  	[smem:$0x3FA6] =	sst s1  }
0xa: {  	[smem:$0x3FA7] =	sst s2  }
0xb: {  	[smem:$0x3FA8] =	sst s3  }
0xc: {  	[smem:$0x3FA9] =	sst s4  }
0xd: {  	[smem:$0x3FAA] =	sst s5  }
0xe: {  	[smem:$0x3FAB] =	sst s6  }
0xf: {  	[smem:$0x3FAC] =	sst s7  }
0x10: {  	[smem:$0x3FAD] =	sst s8  }
0x11: {  	[smem:$0x3FAE] =	sst s9;
	s0 =	simm.s32 @!p0 $0x0  }
0x12: {  	s1 =	sld [smem:$0x3F94];
	s0 =	simm.s32 @p0 $0x1  }
0x13: {  	[smem:$0x3FAF] =	sst s0;
	s0 =	simm.s32 @!p1 $0x0  }
0x14: {  	s2 =	sld [smem:$0x3F93];
	s0 =	simm.s32 @p1 $0x1  }
0x15: {  	[smem:$0x3FB0] =	sst s0;
	s0 =	simm.s32 @!p2 $0x0  }
0x16: {  	s3 =	sld [smem:$0x3FDB];
	s0 =	simm.s32 @p2 $0x1  }
0x17: {  	s4 =	simm.s32 $0x1BF5;
	[smem:$0x3FB2] =	sst s0  }
0x18: {  	s0 =	sld [smem:$0x3F95];
	_ =	swait.ge [sflag:s4], $0x0  }
0x19: {  	s7 =	sld [smem:$0x3F96]  }
0x1a: {  	s8 =	sadd.s32 $0xFFFFE003, lr  }
0x1b: {  	s9 =	sadd.s32 $0xFFFFFEF7, lr;
	s5 =	simm.s32 $0xFFFFFFFF;
	p2 =	slt.u32 s8, $0xFFFFF086  }
0x1c: {  	p1 =	slt.u32 s9, $0xF7A;
	s5 =	simm.s32 @!p2 $0x0  }
0x1d: {  	s5 =	simm.s32 @p1 $0x1;
	p0 =	seq.s32 s7, s2  }
0x1e: {  	s7 =	smul.u32 @!p0 $0xF7A, s2;
	p2 =	seq.s32 @!p0 s5, $0x0  }
0x1f: {  	s9 =	smul.u32 $0xF7A, s1;
	s8 =	simm.s32 @!p0 $0x1BF5;
	p2 =	por !p2, p0  }
0x20: {  	[sflag:s8] =	ssyncset.s32 @!p0 $0xFFFFF086;
	s6 =	sadd.s32 @!p0 s3, s7;
	s7 =	simm.s32 @!p0 $0x108  }
0x21: {  	s3 =	sadd.s32 s3, s9;
	s6 =	sadd.s32 @!p0 $0x88, s6;
	s7 =	simm.s32 @p2 $0x1082  }
0x22: {  	[simem:s7], [sflag:s8] =	dma.local @!p0 [hbm:s6], $0xF7A  }
0x23: {  	s9 =	sor.u32 $0xD0000000, s2;
	s6 =	simm.s32 $0x108;
	_ =	swait.ge @!p0 [sflag:s8], $0x0  }
0x24: {  	s3 =	sadd.s32 $0x88, s3;
	s6 =	simm.s32 @!p1 $0x1082;
	[sflag:s4] =	ssyncset.s32 $0xFFFFF086  }
0x25: {  	[simem:s6], [sflag:s4] =	dma.local [hbm:s3], $0xF7A  }
0x26: {  	[smem:$0x3F96] =	sst s1;
	(tag) =	ssettag s2;
	_ =	strace s9  }
0x27: {  	s1 =	sld [smem:$0x3FA6]  }
0x28: {  	s2 =	sld [smem:$0x3FA7]  }
0x29: {  	s4 =	sld [smem:$0x3FA9]  }
0x2a: {  	p0 =	seq.s32 s5, $0x0;
	s5 =	sld [smem:$0x3FAA]  }
0x2b: {  	s6 =	sld [smem:$0x3FAB]  }
0x2c: {  	s7 =	sld [smem:$0x3FAC]  }
0x2d: {  	s3 =	simm.s32 $0x108;
	s8 =	sld [smem:$0x3FAD]  }
0x2e: {  	s3 =	simm.s32 @!p0 $0x1082;
	s9 =	sld [smem:$0x3FAE]  }
0x2f: {  	lr =	sadd.s32 s0, s3;
	s0 =	sld [smem:$0x3FA5]  }
0x30: {  	s3 =	sld [smem:$0x3FA8]  }
0x31: {  	[smem:$0x3FB1] =	sst s10  }
0x32: {  	s10 =	sld [smem:$0x3FAF];
	_ =	sdelay $0x3  }
0x33: {  	p0 =	seq.s32 s10, $0x1;
	s10 =	sld [smem:$0x3FB1];
	_ =	sdelay $0x3  }
0x34: {  	[smem:$0x3FB1] =	sst s10  }
0x35: {  	s10 =	sld [smem:$0x3FB0];
	_ =	sdelay $0x3  }
0x36: {  	p1 =	seq.s32 s10, $0x1;
	s10 =	sld [smem:$0x3FB1];
	_ =	sdelay $0x3  }
0x37: {  	[smem:$0x3FB1] =	sst s10  }
0x38: {  	s10 =	sld [smem:$0x3FB2]  }
0x39: {  	_ = 	snop;
	(pc) =	sbr.ind lr, $3  }
0x3a: {  	_ = 	snop  }
0x3b: {  	_ = 	snop  }
0x3c: {  	p2 =	seq.s32 s10, $0x1;
	s10 =	sld [smem:$0x3FB1]  }
0x3d: {  	_ =	shalt  }
0x3e: {  	_ =	shalt  }
0x3f: {  	_ =	shalt  }
0x40: {  	_ =	shalt  }
0x41: {  	_ =	shalt  }
0x42: {  	_ =	shalt  }
0x43: {  	_ =	shalt  }
0x44: {  	_ =	shalt  }
0x45: {  	_ =	shalt  }
0x46: {  	_ =	shalt  }
0x47: {  	_ =	shalt  }
0x48: {  	_ =	shalt  }
0x49: {  	_ =	shalt  }
0x4a: {  	_ =	shalt  }
0x4b: {  	_ =	shalt  }
0x4c: {  	_ =	shalt  }
0x4d: {  	_ =	shalt  }
0x4e: {  	_ =	shalt  }
0x4f: {  	_ =	shalt  }
0x50: {  	_ =	shalt  }
0x51: {  	_ =	shalt  }
0x52: {  	_ =	shalt  }
0x53: {  	_ =	shalt  }
0x54: {  	_ =	shalt  }
0x55: {  	_ =	shalt  }
0x56: {  	_ =	shalt  }
0x57: {  	_ =	shalt  }
0x58: {  	_ =	shalt  }
0x59: {  	_ =	shalt  }
0x5a: {  	_ =	shalt  }
0x5b: {  	_ =	shalt  }
0x5c: {  	_ =	shalt  }
0x5d: {  	_ =	shalt  }
0x5e: {  	_ =	shalt  }
0x5f: {  	_ =	shalt  }
0x60: {  	_ =	shalt  }
0x61: {  	_ =	shalt  }
0x62: {  	_ =	shalt  }
0x63: {  	_ =	shalt  }
0x64: {  	_ =	shalt  }
0x65: {  	_ =	shalt  }
0x66: {  	_ =	shalt  }
0x67: {  	_ =	shalt  }
0x68: {  	_ =	shalt  }
0x69: {  	_ =	shalt  }
0x6a: {  	_ =	shalt  }
0x6b: {  	_ =	shalt  }
0x6c: {  	_ =	shalt  }
0x6d: {  	_ =	shalt  }
0x6e: {  	_ =	shalt  }
0x6f: {  	_ =	shalt  }
0x70: {  	_ =	shalt  }
0x71: {  	_ =	shalt  }
0x72: {  	_ =	shalt  }
0x73: {  	_ =	shalt  }
0x74: {  	_ =	shalt  }
0x75: {  	_ =	shalt  }
0x76: {  	_ =	shalt  }
0x77: {  	_ =	shalt  }
0x78: {  	_ =	shalt  }
0x79: {  	_ =	shalt  }
0x7a: {  	_ =	shalt  }
0x7b: {  	_ =	shalt  }
0x7c: {  	_ =	shalt  }
0x7d: {  	_ =	shalt  }
0x7e: {  	_ =	shalt  }
0x7f: {  	_ =	shalt  }
0x80: {  	_ =	shalt  }
0x81: {  	_ =	shalt  }
0x82: {  	_ =	shalt  }
0x83: {  	_ =	shalt  }
0x84: {  	_ =	shalt  }
0x85: {  	_ =	shalt  }
0x86: {  	_ =	shalt  }
0x87: {  	_ =	shalt  }
.Lfunc_end0:
.L_simem_size_0:
called_computation_lowered:
.L_overlay_start_0:
0x88: {  	s2 =	sld [smem:$0x3FD9]  }
0x89: {  	s3 =	sld [smem:$0x3FFE];
	_ =	sdelay $0x1  }
0x8a: {  	s1 =	srdreg.scid  }
0x8b: {  	s0 =	sand.u32 $0x1, s1  }
0x8c: {  	s16 =	sshll.u32 s0, $0xA;
	s2 =	sadd.s32 s3, s2  }
0x8d: {  	s2 =	sadd.s32 s2, s16  }
0x8e: {  	[smem:$0x3FBD] =	sst s2  }
0x8f: {  	_ = 	snop  }
0x90: {  	(tm) =	ssettm $0x1  }
0x91: {  	s17 =	sld [smem:$0x3FFB];
	_ =	sdelay $0x3  }
0x92: {  	_ =	strace s17  }
0x93: {  	s2 =	sld [smem:$0x3FFC];
	_ =	sdelay $0x3  }
0x94: {  	_ =	strace s2  }
0x95: {  	s2 =	sld [smem:$0x3FFD];
	_ =	sdelay $0x3  }
0x96: {  	_ =	strace s2  }
0x97: {  	_ =	strace $0x8FFFFFFF  }
0x98: {  	s18 =	sld [smem:$0x3FDB];
	_ =	sdelay $0x1  }
0x99: {  	s19 =	simm.s32 $_scs_section_size  }
0x9a: {  	s4 =	simm.s32 $_size__tile_overlayer_lowered;
	s5 =	simm.s32 $_tile_overlayer_lowered  }
0x9b: {  	s22 =	simm.s32 $0x1BFF;
	s21 =	sshll.u32 s5, $0x1;
	s2 =	sadd.s32 s19, s18  }
0x9c: {  	s6 =	simm.s32 $0x0;
	s20 =	sshll.u32 s4, $0x1;
	s4 =	sadd.s32 s21, s2  }
0x9d: {  	[timem:s6], [sflag:s22] =	dma.local [hbm:s4], s20  }
0x9e: {  	_ =	swait.ge [sflag:s22], s20  }
0x9f: {  	s3 =	ssub.s32 $0x0, s20;
	[sflag:s22] =	ssyncset.done $0x0  }
0xa0: {  	[sflag:s22] =	ssyncadd.s32 s3;
	_ =	sdelay $0x1  }
0xa1: {  	s23 =	simm.s32 $0x1B8B  }
0xa2: {  	_ =	swait.ge [sflag:s23], $0x1  }
0xa3: {  	[sflag:s23] =	ssyncset.done $0x0  }
0xa4: {  	s25 =	simm.s32 $0x1B8E;
	s24 =	sld [smem:$0x3FFE];
	[sflag:s23] =	ssyncadd.s32 $0xFFFFFFFF  }
0xa5: {  	s26 =	simm.s32 $execute0_lowered;
	[smem:$0x3FD2] =	sst s25  }
0xa6: {  	s4 =	sshll.u32 s26, $0x1;
	_ =	strace $0x80000046;
	[dreg:$0x1] =	wrdreg $0xFFFFFFFF  }
0xa7: {  	s28 =	simm.s32 $_size_execute0_lowered;
	s2 =	sadd.s32 s2, s4;
	[dreg:$0x0] =	wrdreg $0x0  }
0xa8: {  	s4 =	sshll.u32 s28, $0x1;
	[dreg:$0x2] =	wrdreg s2  }
0xa9: {  	[dreg:$0x3] =	wrdreg s4  }
0xaa: {  	[dreg:$0x4] =	wrdreg $0xC0  }
0xab: {  	_ =	task [dreg:s6], $0x5FFFF  }
0xac: {  	[dreg:$0x1] =	wrdreg $0xFFFFFFFF  }
0xad: {  	[dreg:$0x0] =	wrdreg $0x60  }
0xae: {  	[dreg:$0x2] =	wrdreg s24  }
0xaf: {  	[dreg:$0x3] =	wrdreg $0x9  }
0xb0: {  	_ =	task.clear_ibuf [dreg:s6], $0x4FFFF;
	_ =	strace $0x90000046  }
0xb1: {  	s29 =	simm.s32 $0x9;
	_ =	strace $0x80000048  }
0xb2: {  	_ =	swait.ge [sflag:s29], $0x1  }
0xb3: {  	[sflag:s29] =	ssyncadd.s32 $0xFFFFFFFF  }
0xb4: {  	_ =	strace $0x90000048  }
0xb5: {  	_ =	sfence  }
0xb6: {  	s30 =	sld [smem:$0x0];
	_ =	sdelay $0x2  }
0xb7: {  	s31 =	sshll.u32 s1, $0xD;
	s1 =	sshrl.u32 s1, $0x2  }
0xb8: {  	s3 =	sand.u32 $0x4000, s31;
	s1 =	sadd.s32 s1, s30  }
0xb9: {  	s0 =	sor.u32 s3, s0;
	s1 =	sshll.u32 s1, $0x11  }
0xba: {  	s0 =	sor.u32 s1, s0  }
0xbb: {  	s0 =	sadd.s32 $0x8F2B, s0  }
0xbc: {  	[sflag:s0] =	ssyncadd.remote.s32 $0x1  }
0xbd: {  	_ =	sfence.sel $0xFFFF  }
0xbe: {  	[dreg:$0x0] =	wrdreg $0xFFFFFFFF;
	(pc) =	sbr.abs _section_cstart, $3  }
0xbf: {  	[dreg:$0x1] =	wrdreg $0xFFFFFFFF  }
0xc0: {  	_ =	task.clear_ibuf [dreg:s6], $0x2FFFF;
	_ =	strace $0x9FFFFFFF  }
0xc1: {  	(tm) =	ssettm $0x7FFFFFFF  }
tec
execute0_lowered:
.L_overlay_start_1:
0x0: {  	(tag) =	ssettag $0x1  }
0x1: {  	s5 =	rddreg [dreg:$0x0];
	s2 =	srdreg.scid  }
0x2: {  	s0 =	rddreg [dreg:$0x1];
	s1 =	stileid.u32;
	s8 =	sand.u32 $0x1, s2  }
0x3: {  	s2 =	simm.s32 $0x0;
	s3 =	sshll.u32 s1, $0x6;
	s4 =	sshll.u32 s8, $0x5  }
0x4: {  	s7 =	sadd.s32 $0x127C00, s5;
	[smem:$0x7FF] =	sst s2;
	s9 =	sor.u32 s4, s3  }
0x5: {  	_ =	strace $0x80000047;
	s3 =	simm.s32 $0x1;
	s4 =	sadd.s32 s7, s9  }
0x6: {  	[tilespmem:s2], [sflag:$0x1] =	stream.linear.gather [hbm4b:s4+s2], $0x80, $0x38;
	[tilespmem:$0x100] =	vst v63  }
0x7: {  	_ =	swait.ge [sflag:s3], $0x80  }
0x8: {  	[sflag:s3] =	ssyncset.done $0x0  }
0x9: {  	[sflag:s3] =	ssyncadd.s32 $0xFFFFFF80  }
0xa: {  	v2 =	vld [tilespmem:$0x20]  }
0xb: {  	v3 =	vld [tilespmem:$0x0]  }
0xc: {  	v4 =	vld [tilespmem:$0x10]  }
0xd: {  	v0 =	vlaneseq.u32;
	v5 =	vld [tilespmem:$0x30]  }
0xe: {  	v1 =	vor.u32 $0x20, v0  }
0xf: {  	(xrf1) =	vsort.dscd.msk.f32 $0xffff, v2, v1  }
0x10: {  	v2 =	vor.u32 $0x10, v0;
	(xrf1) =	vsort.dscd.msk.f32 $0xffff, v3, v0  }
0x11: {  	v3 =	vor.u32 $0x30, v0;
	(xrf1) =	vsort.dscd.msk.f32 $0xffff, v4, v2  }
0x12: {  	(xrf1) =	vsort.dscd.msk.f32 $0xffff, v5, v3;
	_ =	sdelay $0xa  }
0x13: {  	v4 =	vand.u32 $0x3, v0;
	v5, v6, _ =	vpop (xrf1)  }
0x14: {  	v6 =	vperm.xlane v6, v4;
	v7, v8, _ =	vpop (xrf1)  }
0x15: {  	v7 =	vperm.xlane v7, v4;
	v8 =	vperm.xlane v8, v4;
	v9, v10, _ =	vpop (xrf1)  }
0x16: {  	vm0 =	vmmov $0xf;
	v9 =	vperm.xlane v9, v4;
	v10 =	vperm.xlane v10, v4;
	v11, v12, _ =	vpop (xrf1)  }
0x17: {  	vm1 =	vmmov $0xff;
	v5 =	vperm.xlane v5, v4;
	v12 =	vperm.xlane v12, v4  }
0x18: {  	v57 =	vperm.xlane v11, v4;
	v7 =	vsel vm0, v7, v9;
	v8 =	vsel vm0, v8, v10  }
0x19: {  	vm2 =	vmmov $0xfff;
	v5 =	vsel vm1, v7, v5;
	v6 =	vsel vm1, v8, v6  }
0x1a: {  	v5 =	vsel vm2, v5, v57;
	v6 =	vsel vm2, v6, v12  }
0x1b: {  	(xrf1) =	vsort.dscd.msk.f32 $0xffff, v5, v6;
	_ =	sdelay $0xd  }
0x1c: {  	s10 =	sadd.s32 $0x128000, s5;
	_, v5, _ =	vpop (xrf1)  }
0x1d: {  	s5 =	simm.s32 $0x80;
	s6 =	sadd.s32 s10, s9;
	[tilespmem:$0x80] =	vst v5  }
0x1e: {  	[hbm4b:s6+s2] =	stream.linear.scatter [tilespmem:s5], [sflag:$0x1], $0x80, $0x38;
	[tilespmem:$0x100] =	vst v63  }
0x1f: {  	_ =	swait.ge [sflag:s3], $0x80  }
0x20: {  	s9 =	sor.u32 $0x10, s9;
	[sflag:s3] =	ssyncset.done $0x0  }
0x21: {  	s7 =	sadd.s32 s7, s9;
	[sflag:s3] =	ssyncadd.s32 $0xFFFFFF80  }
0x22: {  	[tilespmem:s2], [sflag:$0x1] =	stream.linear.gather [hbm4b:s7+s2], $0x80, $0x38;
	[tilespmem:$0x100] =	vst v63  }
0x23: {  	_ =	swait.ge [sflag:s3], $0x80  }
0x24: {  	[sflag:s3] =	ssyncset.done $0x0  }
0x25: {  	[sflag:s3] =	ssyncadd.s32 $0xFFFFFF80  }
0x26: {  	v5 =	vld [tilespmem:$0x20]  }
0x27: {  	v6 =	vld [tilespmem:$0x0]  }
0x28: {  	v7 =	vld [tilespmem:$0x10]  }
0x29: {  	v58 =	vld [tilespmem:$0x30];
	_ =	sdelay $0x1  }
0x2a: {  	(xrf1) =	vsort.dscd.msk.f32 $0xffff, v5, v1  }
0x2b: {  	(xrf1) =	vsort.dscd.msk.f32 $0xffff, v6, v0  }
0x2c: {  	(xrf1) =	vsort.dscd.msk.f32 $0xffff, v7, v2  }
0x2d: {  	(xrf1) =	vsort.dscd.msk.f32 $0xffff, v58, v3;
	_ =	sdelay $0xa  }
0x2e: {  	v5, v6, _ =	vpop (xrf1)  }
0x2f: {  	v5 =	vperm.xlane v5, v4;
	v7, v59, _ =	vpop (xrf1)  }
0x30: {  	v7 =	vperm.xlane v7, v4;
	v8 =	vperm.xlane v59, v4;
	v61, v60, _ =	vpop (xrf1)  }
0x31: {  	v9 =	vperm.xlane v61, v4;
	v10 =	vperm.xlane v60, v4;
	v62, v63, _ =	vpop (xrf1)  }
0x32: {  	v6 =	vperm.xlane v6, v4;
	v11 =	vperm.xlane v62, v4  }
0x33: {  	v12 =	vperm.xlane v63, v4;
	v7 =	vsel vm0, v7, v9;
	v8 =	vsel vm0, v8, v10  }
0x34: {  	v5 =	vsel vm1, v7, v5;
	v6 =	vsel vm1, v8, v6  }
0x35: {  	v5 =	vsel vm2, v5, v11;
	v6 =	vsel vm2, v6, v12  }
0x36: {  	(xrf1) =	vsort.dscd.msk.f32 $0xffff, v5, v6;
	_ =	sdelay $0x4  }
0x37: {  	s8 =	ssub.s32 $0x2, s8  }
0x38: {  	s11 =	sshrl.u32 s8, $0x1  }
0x39: {  	s8 =	ssub.s32 s8, s11  }
0x3a: {  	s11 =	smax.u32 s8, $0x1  }
0x3b: {  	p0 =	sne.s32 s11, $0x1  }
.Ltmp0:
0x3c: {  	_ = 	snop;
	(pc) =	sbr.rel @!p0 .LBB2_2-.Ltmp0, $2  }
0x3d: {  	_ =	sdelay $0x2  }
0x3e: {  	s8 =	sadd.s32 s10, s9;
	s9 =	sadd.s32 $0xFFFFFFFF, s11;
	_, v5, _ =	vpop (xrf1)  }
.LBB2_1:
0x3f: {  	p0 =	sne.s32 s9, $0x1;
	s9 =	sadd.s32 $0xFFFFFFFF, s9;
	[tilespmem:$0x80] =	vst v5  }
0x40: {  	[hbm4b:s8+s2] =	stream.linear.scatter [tilespmem:s5], [sflag:$0x1], $0x80, $0x38;
	[tilespmem:$0x100] =	vst v63  }
0x41: {  	_ =	swait.ge [sflag:s3], $0x80  }
0x42: {  	[sflag:s3] =	ssyncset.done $0x0  }
0x43: {  	[sflag:s3] =	ssyncadd.s32 $0xFFFFFF80  }
0x44: {  	[tilespmem:s2], [sflag:$0x1] =	stream.linear.gather [hbm4b:s4+s2], $0x80, $0x38;
	[tilespmem:$0x100] =	vst v63  }
0x45: {  	_ =	swait.ge [sflag:s3], $0x80  }
0x46: {  	[sflag:s3] =	ssyncset.done $0x0  }
0x47: {  	[sflag:s3] =	ssyncadd.s32 $0xFFFFFF80  }
0x48: {  	v5 =	vld [tilespmem:$0x20]  }
0x49: {  	v6 =	vld [tilespmem:$0x0]  }
0x4a: {  	v7 =	vld [tilespmem:$0x10]  }
0x4b: {  	v8 =	vld [tilespmem:$0x30];
	_ =	sdelay $0x1  }
0x4c: {  	(xrf1) =	vsort.dscd.msk.f32 $0xffff, v5, v1  }
0x4d: {  	(xrf1) =	vsort.dscd.msk.f32 $0xffff, v6, v0  }
0x4e: {  	(xrf1) =	vsort.dscd.msk.f32 $0xffff, v7, v2  }
0x4f: {  	(xrf1) =	vsort.dscd.msk.f32 $0xffff, v8, v3;
	_ =	sdelay $0xa  }
0x50: {  	v5, v6, _ =	vpop (xrf1)  }
0x51: {  	v6 =	vperm.xlane v6, v4;
	v7, v8, _ =	vpop (xrf1)  }
0x52: {  	v7 =	vperm.xlane v7, v4;
	v8 =	vperm.xlane v8, v4;
	v9, v10, _ =	vpop (xrf1)  }
0x53: {  	v9 =	vperm.xlane v9, v4;
	v10 =	vperm.xlane v10, v4;
	v11, v12, _ =	vpop (xrf1)  }
0x54: {  	v5 =	vperm.xlane v5, v4;
	v12 =	vperm.xlane v12, v4  }
0x55: {  	v7 =	vsel vm0, v7, v9;
	v8 =	vsel vm0, v8, v10;
	v9 =	vperm.xlane v11, v4  }
0x56: {  	v5 =	vsel vm1, v7, v5;
	v6 =	vsel vm1, v8, v6  }
0x57: {  	v5 =	vsel vm2, v5, v9;
	v6 =	vsel vm2, v6, v12  }
0x58: {  	(xrf1) =	vsort.dscd.msk.f32 $0xffff, v5, v6;
	_ =	sdelay $0xd  }
0x59: {  	_, v5, _ =	vpop (xrf1)  }
0x5a: {  	[tilespmem:$0x80] =	vst v5  }
0x5b: {  	[hbm4b:s6+s2] =	stream.linear.scatter [tilespmem:s5], [sflag:$0x1], $0x80, $0x38;
	[tilespmem:$0x100] =	vst v63  }
0x5c: {  	_ =	swait.ge [sflag:s3], $0x80  }
0x5d: {  	[sflag:s3] =	ssyncset.done $0x0  }
0x5e: {  	[sflag:s3] =	ssyncadd.s32 $0xFFFFFF80  }
0x5f: {  	[tilespmem:s2], [sflag:$0x1] =	stream.linear.gather [hbm4b:s7+s2], $0x80, $0x38;
	[tilespmem:$0x100] =	vst v63  }
0x60: {  	_ =	swait.ge [sflag:s3], $0x80  }
0x61: {  	[sflag:s3] =	ssyncset.done $0x0  }
0x62: {  	[sflag:s3] =	ssyncadd.s32 $0xFFFFFF80  }
0x63: {  	v5 =	vld [tilespmem:$0x20]  }
0x64: {  	v6 =	vld [tilespmem:$0x0]  }
0x65: {  	v7 =	vld [tilespmem:$0x10]  }
0x66: {  	v8 =	vld [tilespmem:$0x30];
	_ =	sdelay $0x1  }
0x67: {  	(xrf1) =	vsort.dscd.msk.f32 $0xffff, v5, v1  }
0x68: {  	(xrf1) =	vsort.dscd.msk.f32 $0xffff, v6, v0  }
0x69: {  	(xrf1) =	vsort.dscd.msk.f32 $0xffff, v7, v2  }
0x6a: {  	(xrf1) =	vsort.dscd.msk.f32 $0xffff, v8, v3;
	_ =	sdelay $0xa  }
0x6b: {  	v5, v6, _ =	vpop (xrf1)  }
0x6c: {  	v5 =	vperm.xlane v5, v4;
	v6 =	vperm.xlane v6, v4;
	v7, v8, _ =	vpop (xrf1)  }
0x6d: {  	v7 =	vperm.xlane v7, v4;
	v8 =	vperm.xlane v8, v4;
	v9, v10, _ =	vpop (xrf1)  }
0x6e: {  	v9 =	vperm.xlane v9, v4;
	v10 =	vperm.xlane v10, v4;
	v11, v12, _ =	vpop (xrf1)  }
0x6f: {  	v11 =	vperm.xlane v11, v4;
	v12 =	vperm.xlane v12, v4  }
0x70: {  	v7 =	vsel vm0, v7, v9;
	v8 =	vsel vm0, v8, v10  }
0x71: {  	v5 =	vsel vm1, v7, v5;
	v6 =	vsel vm1, v8, v6  }
0x72: {  	v5 =	vsel vm2, v5, v11;
	v6 =	vsel vm2, v6, v12  }
0x73: {  	(xrf1) =	vsort.dscd.msk.f32 $0xffff, v5, v6;
	_ =	sdelay $0x9  }
.Ltmp1:
0x74: {  	(pc) =	sbr.rel @p0 .LBB2_1-.Ltmp1, $2  }
0x75: {  	_ =	sdelay $0x2  }
0x76: {  	_, v5, _ =	vpop (xrf1)  }
.LBB2_2:
0x77: {  	[tilespmem:$0x80] =	vst v5  }
0x78: {  	[hbm4b:s8+s2] =	stream.linear.scatter [tilespmem:s5], [sflag:$0x1], $0x80, $0x38;
	[tilespmem:$0x100] =	vst v63  }
0x79: {  	_ =	swait.ge [sflag:s3], $0x80  }
0x7a: {  	[sflag:s3] =	ssyncset.done $0x0  }
0x7b: {  	[sflag:s3] =	ssyncadd.s32 $0xFFFFFF80  }
0x7c: {  	_ =	sfence.sel $0x180000  }
0x7d: {  	[bflag:$0x0] =	sbarrier.arrive $0xFFFF  }
0x7e: {  	p0 =	sne.s32 s1, $0x0;
	_ =	strace $0x90000047  }
0x7f: {  	s0 =	sadd.s32 @!p0 $0x100000, s0;
	[bflag:$0x2] =	sbarrier.arrive $0xFFFF  }
0x80: {  	[sflag:s0] =	ssyncadd.tile.s32 @!p0 $0x1;
	_ =	shalt  }
.Lfunc_end2:
_tile_overlayer_lowered:
.L_overlay_start_2:
0x81: {  	(tag) =	ssettag $0x2  }
0x82: {  	s0 =	rddreg [dreg:$0x0];
	s2 =	stileid.u32  }
0x83: {  	s1 =	rddreg [dreg:$0x1];
	p0 =	sne.s32 s2, $0x0  }
0x84: {  	s3 =	rddreg [dreg:$0x2];
	[bflag:$0x3] =	sbarrier.arrive $0xFFFF;
	s2 =	simm.s32 @!p0 $0x1C01  }
0x85: {  	[timem:s3], [sflag:s2] =	dma.local @!p0 [hbm:s0], s1  }
0x86: {  	s0 =	simm.s32 @!p0 $0x1  }
0x87: {  	_ =	swait.ge @!p0 [sflag:s0], s1  }
0x88: {  	s1 =	ssub.s32 @!p0 $0x0, s1;
	[sflag:s0] =	ssyncset.done @!p0 $0x0  }
0x89: {  	[sflag:s0] =	ssyncadd.s32 @!p0 s1  }
0x8a: {  	[bflag:$0x3] =	sbarrier.arrive $0xFFFF  }
0x8b: {  	_ =	shalt  }

</sc_bundles>
